<compile_context>
chip_gen: v7x
topology: tpu7x:2x2x1
jax: 0.10.2.dev20260603
libtpu: 0.0.44.dev20260713+nightly
codegen_flags: <defaults>
</compile_context>

<pallas_src>
import functools

import jax
import jax.numpy as jnp
from jax import lax
from jax.experimental import pallas as pl
from jax.experimental.pallas import tpu as pltpu
from jax.experimental.pallas import tpu_sc as plsc

N_NODES = 50000
N_EDGES = 800000
F = 64
HF = 32
H = 4096

NC = 2
NS = 16
B = 128
E_TILE = N_EDGES // NS
KFULL = 390
TAIL = E_TILE - KFULL * B
CH = 30
NCH = KFULL // CH
CHB = CH * B
NBUF = 4
R_PAD = 50048
STRIPE = R_PAD // NS


@functools.cache
def _make_sc_aggregate():
    mesh = plsc.VectorSubcoreMesh(core_axis_name="c", subcore_axis_name="s")

    @functools.partial(
        pl.kernel,
        mesh=mesh,
        out_type=jax.ShapeDtypeStruct((NC, R_PAD, HF), jnp.float32),
        scratch_types=[
            pltpu.VMEM((CHB,), jnp.int32),
            pltpu.VMEM((CHB,), jnp.int32),
            pltpu.VMEM((NBUF, B, HF), jnp.float32),
            pltpu.VMEM_SHARED((R_PAD, HF), jnp.float32),
            pltpu.SemaphoreType.DMA,
        ],
        compiler_params=pltpu.CompilerParams(use_tc_tiling_on_sc=False),
    )
    def _sc_aggregate(x2b, src_h, dst_h, zrows, out, src_v, dst_v,
                      rows_v, agg_sh, sem):
        c = lax.axis_index("c")
        s = lax.axis_index("s")
        table = x2b.at[pl.ds(c * N_NODES, N_NODES)]
        base = s * E_TILE
        pltpu.sync_copy(zrows, agg_sh.at[pl.ds(s * STRIPE, STRIPE)])
        plsc.subcore_barrier()

        def fire_gather(j):
            pltpu.async_copy(table.at[src_v.at[pl.ds(j * B, B)]],
                             rows_v.at[j % NBUF], sem)

        def drain_and_scatter(j):
            buf = rows_v.at[j % NBUF]
            pltpu.make_async_copy(table.at[src_v.at[pl.ds(j * B, B)]],
                                  buf, sem).wait()
            pltpu.sync_copy(buf, agg_sh.at[dst_v.at[pl.ds(j * B, B)]],
                            add=True)

        def chunk(ci, carry):
            off = base + ci * CHB
            pltpu.sync_copy(src_h.at[pl.ds(off, CHB)], src_v)
            pltpu.sync_copy(dst_h.at[pl.ds(off, CHB)], dst_v)
            for j in range(NBUF - 1):
                fire_gather(j)

            def body(j, carry2):
                fire_gather(j + (NBUF - 1))
                drain_and_scatter(j)
                return carry2

            lax.fori_loop(0, CH - (NBUF - 1), body, 0, unroll=2)
            for j in range(CH - (NBUF - 1), CH):
                drain_and_scatter(j)
            return carry

        lax.fori_loop(0, NCH, chunk, 0)
        toff = base + KFULL * B
        pltpu.sync_copy(src_h.at[pl.ds(toff, TAIL)], src_v.at[pl.ds(0, TAIL)])
        pltpu.sync_copy(dst_h.at[pl.ds(toff, TAIL)], dst_v.at[pl.ds(0, TAIL)])
        tbuf = rows_v.at[0, pl.ds(0, TAIL)]
        pltpu.async_copy(table.at[src_v.at[pl.ds(0, TAIL)]], tbuf, sem).wait()
        pltpu.sync_copy(tbuf, agg_sh.at[dst_v.at[pl.ds(0, TAIL)]], add=True)

        plsc.subcore_barrier()
        pltpu.sync_copy(agg_sh.at[pl.ds(s * STRIPE, STRIPE)],
                        out.at[c, pl.ds(s * STRIPE, STRIPE)])

    return _sc_aggregate


def _rnn_body(w_ref, wih_ref, b_ref, o_ref):
    h = lax.dot_general(w_ref[...], wih_ref[...], (((1,), (1,)), ((), ())),
                        preferred_element_type=jnp.float32)
    o_ref[...] = jnp.tanh(h + b_ref[...])


_rnn_call = pl.pallas_call(
    _rnn_body,
    grid=(8,),
    in_specs=[
        pl.BlockSpec((1, H), lambda i: (0, 0)),
        pl.BlockSpec((H // 8, H), lambda i: (i, 0)),
        pl.BlockSpec((1, H // 8), lambda i: (0, i)),
    ],
    out_specs=pl.BlockSpec((1, H // 8), lambda i: (0, i)),
    out_shape=jax.ShapeDtypeStruct((1, H), jnp.float32),
)

_QP = R_PAD // 4
_Q_BLK = _QP // 4


def _fin_body(agg_ref, g0_ref, g1_ref, gp_ref, bb_ref, o_ref):
    t = lax.dot_general(agg_ref[0], g0_ref[...], (((1,), (0,)), ((), ())),
                        preferred_element_type=jnp.float32)
    t += lax.dot_general(agg_ref[1], g1_ref[...], (((1,), (0,)), ((), ())),
                         preferred_element_type=jnp.float32)
    g = jnp.maximum(t, 0.0)
    y = lax.dot_general(g, gp_ref[...], (((1,), (0,)), ((), ())),
                        preferred_element_type=jnp.float32)
    o_ref[...] = y + bb_ref[...]


_fin_call = pl.pallas_call(
    _fin_body,
    grid=(4,),
    in_specs=[
        pl.BlockSpec((NC, _Q_BLK, 128), lambda i: (0, i, 0)),
        pl.BlockSpec((128, 256), lambda i: (0, 0)),
        pl.BlockSpec((128, 256), lambda i: (0, 0)),
        pl.BlockSpec((256, 256), lambda i: (0, 0)),
        pl.BlockSpec((1, 256), lambda i: (0, 0)),
    ],
    out_specs=pl.BlockSpec((_Q_BLK, 256), lambda i: (i, 0)),
    out_shape=jax.ShapeDtypeStruct((_QP, 256), jnp.float32),
)


def kernel(x, edge_index, W_t, rnn_W_ih, rnn_W_hh, rnn_b_ih, rnn_b_hh,
           proj_W, proj_b):
    del rnn_W_hh
    ei = edge_index.astype(jnp.int32)
    x2b = jnp.concatenate([x[:, :HF], x[:, HF:]], axis=0)
    zrows = jnp.zeros((STRIPE, HF), jnp.float32)
    aggp = _make_sc_aggregate()(x2b, ei[0], ei[1], zrows)

    wrow = W_t.reshape(1, H)
    b2 = (rnn_b_ih + rnn_b_hh).reshape(1, H)
    h1 = _rnn_call(wrow, rnn_W_ih, b2)
    W_t_new = h1.reshape(F, F)

    eye4 = jnp.eye(4, dtype=jnp.float32)
    g0 = jnp.kron(eye4, W_t_new[:, :HF].T)
    g1 = jnp.kron(eye4, W_t_new[:, HF:].T)
    gp = jnp.kron(eye4, proj_W.T)
    bb = jnp.tile(proj_b, 4).reshape(1, 4 * F)
    aggp3 = aggp.reshape(NC, _QP, 128)
    y2 = _fin_call(aggp3, g0, g1, gp, bb)
    y = y2.reshape(R_PAD, F)[:N_NODES]
    return (y, W_t_new)

# --- scband reference (transcript-rebuilt; emitter-appended) ---
"""Pipeline reference for scband-evolve-gcn-o-expert-21543555957368 (READ-ONLY COPY).

The authoritative reference and input builder live on the scoring server;
editing this copy changes nothing except your own understanding.
"""

import jax, jax.numpy as jnp
import numpy as np

IN_CH = 64
OUT_CH = 64
N_NODES = 50000
N_EDGES = 800000
H = IN_CH * IN_CH  # 4096


def setup_inputs(seed: int = 0) -> dict:
    key = jax.random.key(seed)
    ks = jax.random.split(key, 9)
    x = jax.random.normal(ks[0], (N_NODES, IN_CH), dtype=jnp.float32)
    edge_index = jax.random.randint(ks[1], (2, N_EDGES), 0, N_NODES)
    # initial GCN weight (gcn_conv.lin.weight), used as RNN hidden-state input W_t
    W_t = jax.random.normal(ks[2], (IN_CH, IN_CH), dtype=jnp.float32) * (1.0 / np.sqrt(IN_CH))
    # nn.RNN(H, H) parameters (tanh nonlinearity, single layer)
    rnn_W_ih = jax.random.normal(ks[3], (H, H), dtype=jnp.float32) * (1.0 / np.sqrt(H))
    rnn_W_hh = jax.random.normal(ks[4], (H, H), dtype=jnp.float32) * (1.0 / np.sqrt(H))
    rnn_b_ih = jax.random.normal(ks[5], (H,), dtype=jnp.float32) * (1.0 / np.sqrt(H))
    rnn_b_hh = jax.random.normal(ks[6], (H,), dtype=jnp.float32) * (1.0 / np.sqrt(H))
    # proj = nn.Linear(IN_CH, OUT_CH)
    proj_W = jax.random.normal(ks[7], (OUT_CH, IN_CH), dtype=jnp.float32) * (1.0 / np.sqrt(IN_CH))
    proj_b = jax.random.normal(ks[8], (OUT_CH,), dtype=jnp.float32) * (1.0 / np.sqrt(IN_CH))
    return {
        "x": x,
        "edge_index": edge_index,
        "W_t": W_t,
        "rnn_W_ih": rnn_W_ih,
        "rnn_W_hh": rnn_W_hh,
        "rnn_b_ih": rnn_b_ih,
        "rnn_b_hh": rnn_b_hh,
        "proj_W": proj_W,
        "proj_b": proj_b,
    }


def reference(x, edge_index, W_t, rnn_W_ih, rnn_W_hh, rnn_b_ih, rnn_b_hh, proj_W, proj_b):
    # --- RNN step over flattened GCN weight (seq_len=1, batch=1, h0=0) ---
    # PyTorch nn.RNN (tanh): h1 = tanh(x @ W_ih^T + b_ih + h0 @ W_hh^T + b_hh)
    w_flat = W_t.reshape(-1)
    h0 = jnp.zeros_like(w_flat)
    h1 = jnp.tanh(w_flat @ rnn_W_ih.T + rnn_b_ih + h0 @ rnn_W_hh.T + rnn_b_hh)
    W_t_new = h1.reshape(IN_CH, IN_CH)
    # --- x = F.linear(x, W_t_new) ---
    xw = x @ W_t_new.T
    # --- gcn_conv.propagate(edge_index, x=xw, edge_weight=None) ---
    # PyG propagate with edge_weight=None and default 'add' aggregation:
    # out[dst] += xw[src]; edge_index[0]=src, edge_index[1]=dst (source_to_target flow)
    src = edge_index[0]
    dst = edge_index[1]
    agg = jnp.zeros((x.shape[0], IN_CH), dtype=x.dtype).at[dst].add(xw[src])
    # --- proj(relu(agg)) ---
    y = jnp.maximum(agg, 0.0) @ proj_W.T + proj_b
    return (y, W_t_new)

if __name__ == "__main__":
    import jax
    _d = setup_inputs()
    print(jax.jit(kernel)(*tuple(_d.values())))

</pallas_src>

<mosaic_0001>
#map = affine_map<(d0, d1) -> (0, 0)>
#map1 = affine_map<(d0, d1) -> (0)>
#map2 = affine_map<(d0, d1) -> (0, 0, 0)>
module attributes {stable_mosaic.version = 14 : i64} {
  func.func @_sc_aggregate(%arg0: i32, %arg1: i32, %arg2: memref<100000x32xf32, #tpu.memory_space<hbm>>, %arg3: memref<800000xi32, #tpu.memory_space<hbm>>, %arg4: memref<800000xi32, #tpu.memory_space<hbm>>, %arg5: memref<3128x32xf32, #tpu.memory_space<hbm>>, %arg6: memref<2x50048x32xf32, #tpu.memory_space<hbm>>, %arg7: memref<3840xi32, #tpu.memory_space<vmem>>, %arg8: memref<3840xi32, #tpu.memory_space<vmem>>, %arg9: memref<4x128x32xf32, #tpu.memory_space<vmem>>, %arg10: memref<50048x32xf32, #tpu.memory_space<vmem_shared>>, %arg11: memref<!tpu.dma_semaphore, #tpu.memory_space<semaphore_mem>>) attributes {dimension_semantics = [#tpu.dimension_semantics<core_parallel>, #tpu.dimension_semantics<subcore_parallel>], iteration_bounds = array<i64: 2, 16>, scalar_prefetch = 0 : i64, scratch_operands = 5 : i64, tpu.core_type = #tpu.core_type<sc_vector_subcore>, window_params = [{transform_indices = #map}, {transform_indices = #map1}, {transform_indices = #map1}, {transform_indices = #map}, {transform_indices = #map2}]} {
    %mul3A = arith.constant 50000 : i32
    %mul3A_0 = arith.muli %arg0, %mul3A : i32
    %mul3A_1 = arith.constant 50000 : i32
    %mul3A_2 = arith.muli %arg1, %mul3A_1 : i32
    %mul3A_3 = arith.constant 3128 : i32
    %mul3A_4 = arith.muli %arg1, %mul3A_3 : i32
    "tpu.region"() ({
      %run_scoped3A_38 = tpu.sem_alloc : memref<!tpu.dma_semaphore, #tpu.memory_space<semaphore_mem>>
      %dma_start3A_39 = arith.constant 0 : i32
      %dma_start3A_40 = tpu.memref_slice %arg10[%mul3A_4, %dma_start3A_39] : memref<50048x32xf32, #tpu.memory_space<vmem_shared>> -> memref<3128x32xf32, #tpu.memory_space<vmem_shared>>
      tpu.enqueue_dma source(%arg5 : memref<3128x32xf32, #tpu.memory_space<hbm>>) target(%dma_start3A_40 : memref<3128x32xf32, #tpu.memory_space<vmem_shared>>) target_semaphore(%run_scoped3A_38 : memref<!tpu.dma_semaphore, #tpu.memory_space<semaphore_mem>>)
      %dma_wait3A_41 = arith.constant 0 : i32
      %dma_wait3A_42 = tpu.memref_slice %arg10[%mul3A_4, %dma_wait3A_41] : memref<50048x32xf32, #tpu.memory_space<vmem_shared>> -> memref<3128x32xf32, #tpu.memory_space<vmem_shared>>
      tpu.wait_dma2 semaphore(%run_scoped3A_38 : memref<!tpu.dma_semaphore, #tpu.memory_space<semaphore_mem>>) src(%arg5 : memref<3128x32xf32, #tpu.memory_space<hbm>>) dst(%dma_wait3A_42 : memref<3128x32xf32, #tpu.memory_space<vmem_shared>>)
      tpu.yield
    }) : () -> ()
    %barrier3A = arith.constant 0 : index
    tpu.barrier barrier_id(%barrier3A)
    %scan3A = arith.constant 0 : i32
    %scan3A_5 = arith.constant 0 : i32
    %scan3A_6 = arith.constant 13 : i32
    %scan3A_7 = arith.addi %scan3A_5, %scan3A_6 : i32
    %scan3A_8 = arith.constant 1 : i32
    scf.for %scan3A_38 = %scan3A_5 to %scan3A_7 step %scan3A_8  : i32 {
      %mul3A_39 = arith.constant 3840 : i32
      %mul3A_40 = arith.muli %scan3A_38, %mul3A_39 : i32
      %add3A_41 = arith.addi %mul3A_2, %mul3A_40 : i32
      "tpu.region"() ({
        %run_scoped3A_178 = tpu.sem_alloc : memref<!tpu.dma_semaphore, #tpu.memory_space<semaphore_mem>>
        %dma_start3A_179 = tpu.memref_slice %arg3[%add3A_41] : memref<800000xi32, #tpu.memory_space<hbm>> -> memref<3840xi32, #tpu.memory_space<hbm>>
        %dma_start3A_180 = tpu.memref_slice %arg3[%add3A_41] : memref<800000xi32, #tpu.memory_space<hbm>> -> memref<3840xi32, #tpu.memory_space<hbm>>
        tpu.enqueue_dma source(%dma_start3A_180 : memref<3840xi32, #tpu.memory_space<hbm>>) target(%arg7 : memref<3840xi32, #tpu.memory_space<vmem>>) target_semaphore(%run_scoped3A_178 : memref<!tpu.dma_semaphore, #tpu.memory_space<semaphore_mem>>)
        %dma_wait3A_181 = tpu.memref_slice %arg3[%add3A_41] : memref<800000xi32, #tpu.memory_space<hbm>> -> memref<3840xi32, #tpu.memory_space<hbm>>
        %dma_wait3A_182 = tpu.memref_slice %arg3[%add3A_41] : memref<800000xi32, #tpu.memory_space<hbm>> -> memref<3840xi32, #tpu.memory_space<hbm>>
        tpu.wait_dma2 semaphore(%run_scoped3A_178 : memref<!tpu.dma_semaphore, #tpu.memory_space<semaphore_mem>>) src(%dma_wait3A_182 : memref<3840xi32, #tpu.memory_space<hbm>>) dst(%arg7 : memref<3840xi32, #tpu.memory_space<vmem>>)
        tpu.yield
      }) : () -> ()
      "tpu.region"() ({
        %run_scoped3A_178 = tpu.sem_alloc : memref<!tpu.dma_semaphore, #tpu.memory_space<semaphore_mem>>
        %dma_start3A_179 = tpu.memref_slice %arg4[%add3A_41] : memref<800000xi32, #tpu.memory_space<hbm>> -> memref<3840xi32, #tpu.memory_space<hbm>>
        %dma_start3A_180 = tpu.memref_slice %arg4[%add3A_41] : memref<800000xi32, #tpu.memory_space<hbm>> -> memref<3840xi32, #tpu.memory_space<hbm>>
        tpu.enqueue_dma source(%dma_start3A_180 : memref<3840xi32, #tpu.memory_space<hbm>>) target(%arg8 : memref<3840xi32, #tpu.memory_space<vmem>>) target_semaphore(%run_scoped3A_178 : memref<!tpu.dma_semaphore, #tpu.memory_space<semaphore_mem>>)
        %dma_wait3A_181 = tpu.memref_slice %arg4[%add3A_41] : memref<800000xi32, #tpu.memory_space<hbm>> -> memref<3840xi32, #tpu.memory_space<hbm>>
        %dma_wait3A_182 = tpu.memref_slice %arg4[%add3A_41] : memref<800000xi32, #tpu.memory_space<hbm>> -> memref<3840xi32, #tpu.memory_space<hbm>>
        tpu.wait_dma2 semaphore(%run_scoped3A_178 : memref<!tpu.dma_semaphore, #tpu.memory_space<semaphore_mem>>) src(%dma_wait3A_182 : memref<3840xi32, #tpu.memory_space<hbm>>) dst(%arg8 : memref<3840xi32, #tpu.memory_space<vmem>>)
        tpu.yield
      }) : () -> ()
      %dma_start3A_42 = arith.constant 0 : i32
      %dma_start3A_43 = arith.constant 0 : i32
      %dma_start3A_44 = arith.constant 0 : i32
      %dma_start3A_45 = tpu.memref_slice %arg9[%dma_start3A_42, %dma_start3A_43, %dma_start3A_44] : memref<4x128x32xf32, #tpu.memory_space<vmem>> -> memref<1x128x32xf32, #tpu.memory_space<vmem>>
      %dma_start3A_46 = tpu.memref_squeeze %dma_start3A_45 : memref<1x128x32xf32, #tpu.memory_space<vmem>> -> memref<128x32xf32, #tpu.memory_space<vmem>>
      %dma_start3A_47 = arith.constant 0 : i32
      %dma_start3A_48 = tpu.memref_slice %arg7[%dma_start3A_47] : memref<3840xi32, #tpu.memory_space<vmem>> -> memref<128xi32, #tpu.memory_space<vmem>>
      %dma_start3A_49 = arith.constant 0 : i32
      %dma_start3A_50 = tpu.memref_slice %arg2[%mul3A_0, %dma_start3A_49] : memref<100000x32xf32, #tpu.memory_space<hbm>> -> memref<50000x32xf32, #tpu.memory_space<hbm>>
      %dma_start3A_51 = arith.constant 0 : i32
      %dma_start3A_52 = arith.constant 0 : i32
      %dma_start3A_53 = tpu.memref_slice %dma_start3A_50[%dma_start3A_51, %dma_start3A_52] : memref<50000x32xf32, #tpu.memory_space<hbm>> -> memref<50000x32xf32, #tpu.memory_space<hbm>>
      tpu.enqueue_indirect_dma source(%dma_start3A_53 : memref<50000x32xf32, #tpu.memory_space<hbm>>) target(%dma_start3A_46 : memref<128x32xf32, #tpu.memory_space<vmem>>) offsets(%dma_start3A_48 : memref<128xi32, #tpu.memory_space<vmem>>) semaphore(%arg11 : memref<!tpu.dma_semaphore, #tpu.memory_space<semaphore_mem>>)
      %dma_start3A_54 = arith.constant 1 : i32
      %dma_start3A_55 = arith.constant 0 : i32
      %dma_start3A_56 = arith.constant 0 : i32
      %dma_start3A_57 = tpu.memref_slice %arg9[%dma_start3A_54, %dma_start3A_55, %dma_start3A_56] : memref<4x128x32xf32, #tpu.memory_space<vmem>> -> memref<1x128x32xf32, #tpu.memory_space<vmem>>
      %dma_start3A_58 = tpu.memref_squeeze %dma_start3A_57 : memref<1x128x32xf32, #tpu.memory_space<vmem>> -> memref<128x32xf32, #tpu.memory_space<vmem>>
      %dma_start3A_59 = arith.constant 128 : i32
      %dma_start3A_60 = tpu.memref_slice %arg7[%dma_start3A_59] : memref<3840xi32, #tpu.memory_space<vmem>> -> memref<128xi32, #tpu.memory_space<vmem>>
      %dma_start3A_61 = arith.constant 0 : i32
      %dma_start3A_62 = tpu.memref_slice %arg2[%mul3A_0, %dma_start3A_61] : memref<100000x32xf32, #tpu.memory_space<hbm>> -> memref<50000x32xf32, #tpu.memory_space<hbm>>
      %dma_start3A_63 = arith.constant 0 : i32
      %dma_start3A_64 = arith.constant 0 : i32
      %dma_start3A_65 = tpu.memref_slice %dma_start3A_62[%dma_start3A_63, %dma_start3A_64] : memref<50000x32xf32, #tpu.memory_space<hbm>> -> memref<50000x32xf32, #tpu.memory_space<hbm>>
      tpu.enqueue_indirect_dma source(%dma_start3A_65 : memref<50000x32xf32, #tpu.memory_space<hbm>>) target(%dma_start3A_58 : memref<128x32xf32, #tpu.memory_space<vmem>>) offsets(%dma_start3A_60 : memref<128xi32, #tpu.memory_space<vmem>>) semaphore(%arg11 : memref<!tpu.dma_semaphore, #tpu.memory_space<semaphore_mem>>)
      %dma_start3A_66 = arith.constant 2 : i32
      %dma_start3A_67 = arith.constant 0 : i32
      %dma_start3A_68 = arith.constant 0 : i32
      %dma_start3A_69 = tpu.memref_slice %arg9[%dma_start3A_66, %dma_start3A_67, %dma_start3A_68] : memref<4x128x32xf32, #tpu.memory_space<vmem>> -> memref<1x128x32xf32, #tpu.memory_space<vmem>>
      %dma_start3A_70 = tpu.memref_squeeze %dma_start3A_69 : memref<1x128x32xf32, #tpu.memory_space<vmem>> -> memref<128x32xf32, #tpu.memory_space<vmem>>
      %dma_start3A_71 = arith.constant 256 : i32
      %dma_start3A_72 = tpu.memref_slice %arg7[%dma_start3A_71] : memref<3840xi32, #tpu.memory_space<vmem>> -> memref<128xi32, #tpu.memory_space<vmem>>
      %dma_start3A_73 = arith.constant 0 : i32
      %dma_start3A_74 = tpu.memref_slice %arg2[%mul3A_0, %dma_start3A_73] : memref<100000x32xf32, #tpu.memory_space<hbm>> -> memref<50000x32xf32, #tpu.memory_space<hbm>>
      %dma_start3A_75 = arith.constant 0 : i32
      %dma_start3A_76 = arith.constant 0 : i32
      %dma_start3A_77 = tpu.memref_slice %dma_start3A_74[%dma_start3A_75, %dma_start3A_76] : memref<50000x32xf32, #tpu.memory_space<hbm>> -> memref<50000x32xf32, #tpu.memory_space<hbm>>
      tpu.enqueue_indirect_dma source(%dma_start3A_77 : memref<50000x32xf32, #tpu.memory_space<hbm>>) target(%dma_start3A_70 : memref<128x32xf32, #tpu.memory_space<vmem>>) offsets(%dma_start3A_72 : memref<128xi32, #tpu.memory_space<vmem>>) semaphore(%arg11 : memref<!tpu.dma_semaphore, #tpu.memory_space<semaphore_mem>>)
      %scan3A_78 = arith.constant 0 : i32
      %scan3A_79 = arith.constant 0 : i32
      %scan3A_80 = arith.constant 26 : i32
      %scan3A_81 = arith.addi %scan3A_79, %scan3A_80 : i32
      %scan3A_82 = arith.constant 2 : i32
      scf.for %scan3A_178 = %scan3A_79 to %scan3A_81 step %scan3A_82  : i32 {
        %add3A_179 = arith.constant 3 : i32
        %add3A_180 = arith.addi %scan3A_178, %add3A_179 : i32
        %mul3A_181 = arith.constant 128 : i32
        %mul3A_182 = arith.muli %add3A_180, %mul3A_181 : i32
        %jit3A_183 = arith.constant 4 : i32
        %eq3A_184 = arith.constant 0 : i32
        %eq3A_185 = arith.cmpi eq, %jit3A_183, %eq3A_184 : i32
        %jit3A_186 = arith.constant 1 : i32
        %select_n3A_187 = arith.select %eq3A_185, %jit3A_186, %jit3A_183 : i32
        %rem3A_188 = arith.remsi %add3A_180, %select_n3A_187 : i32
        %ne3A_189 = arith.constant 0 : i32
        %ne3A_190 = arith.cmpi ne, %rem3A_188, %ne3A_189 : i32
        %lt3A_191 = arith.constant 0 : i32
        %lt3A_192 = arith.cmpi slt, %rem3A_188, %lt3A_191 : i32
        %lt3A_193 = arith.constant 0 : i32
        %lt3A_194 = arith.cmpi slt, %select_n3A_187, %lt3A_193 : i32
        %ne3A_195 = arith.xori %lt3A_192, %lt3A_194 : i1
        %and3A_196 = arith.andi %ne3A_195, %ne3A_190 : i1
        %add3A_197 = arith.addi %rem3A_188, %select_n3A_187 : i32
        %select_n3A_198 = arith.select %and3A_196, %add3A_197, %rem3A_188 : i32
        %dma_start3A_199 = arith.constant 0 : i32
        %dma_start3A_200 = arith.constant 0 : i32
        %dma_start3A_201 = tpu.memref_slice %arg9[%select_n3A_198, %dma_start3A_199, %dma_start3A_200] : memref<4x128x32xf32, #tpu.memory_space<vmem>> -> memref<1x128x32xf32, #tpu.memory_space<vmem>>
        %dma_start3A_202 = tpu.memref_squeeze %dma_start3A_201 : memref<1x128x32xf32, #tpu.memory_space<vmem>> -> memref<128x32xf32, #tpu.memory_space<vmem>>
        %dma_start3A_203 = tpu.memref_slice %arg7[%mul3A_182] : memref<3840xi32, #tpu.memory_space<vmem>> -> memref<128xi32, #tpu.memory_space<vmem>>
        %dma_start3A_204 = arith.constant 0 : i32
        %dma_start3A_205 = tpu.memref_slice %arg2[%mul3A_0, %dma_start3A_204] : memref<100000x32xf32, #tpu.memory_space<hbm>> -> memref<50000x32xf32, #tpu.memory_space<hbm>>
        %dma_start3A_206 = arith.constant 0 : i32
        %dma_start3A_207 = arith.constant 0 : i32
        %dma_start3A_208 = tpu.memref_slice %dma_start3A_205[%dma_start3A_206, %dma_start3A_207] : memref<50000x32xf32, #tpu.memory_space<hbm>> -> memref<50000x32xf32, #tpu.memory_space<hbm>>
        tpu.enqueue_indirect_dma source(%dma_start3A_208 : memref<50000x32xf32, #tpu.memory_space<hbm>>) target(%dma_start3A_202 : memref<128x32xf32, #tpu.memory_space<vmem>>) offsets(%dma_start3A_203 : memref<128xi32, #tpu.memory_space<vmem>>) semaphore(%arg11 : memref<!tpu.dma_semaphore, #tpu.memory_space<semaphore_mem>>)
        %jit3A_209 = arith.constant 4 : i32
        %eq3A_210 = arith.constant 0 : i32
        %eq3A_211 = arith.cmpi eq, %jit3A_209, %eq3A_210 : i32
        %jit3A_212 = arith.constant 1 : i32
        %select_n3A_213 = arith.select %eq3A_211, %jit3A_212, %jit3A_209 : i32
        %rem3A_214 = arith.remsi %scan3A_178, %select_n3A_213 : i32
        %ne3A_215 = arith.constant 0 : i32
        %ne3A_216 = arith.cmpi ne, %rem3A_214, %ne3A_215 : i32
        %lt3A_217 = arith.constant 0 : i32
        %lt3A_218 = arith.cmpi slt, %rem3A_214, %lt3A_217 : i32
        %lt3A_219 = arith.constant 0 : i32
        %lt3A_220 = arith.cmpi slt, %select_n3A_213, %lt3A_219 : i32
        %ne3A_221 = arith.xori %lt3A_218, %lt3A_220 : i1
        %and3A_222 = arith.andi %ne3A_221, %ne3A_216 : i1
        %add3A_223 = arith.addi %rem3A_214, %select_n3A_213 : i32
        %select_n3A_224 = arith.select %and3A_222, %add3A_223, %rem3A_214 : i32
        %mul3A_225 = arith.constant 128 : i32
        %mul3A_226 = arith.muli %scan3A_178, %mul3A_225 : i32
        %dma_wait3A_227 = arith.constant 0 : i32
        %dma_wait3A_228 = arith.constant 0 : i32
        %dma_wait3A_229 = tpu.memref_slice %arg9[%select_n3A_224, %dma_wait3A_227, %dma_wait3A_228] : memref<4x128x32xf32, #tpu.memory_space<vmem>> -> memref<1x128x32xf32, #tpu.memory_space<vmem>>
        %dma_wait3A_230 = tpu.memref_squeeze %dma_wait3A_229 : memref<1x128x32xf32, #tpu.memory_space<vmem>> -> memref<128x32xf32, #tpu.memory_space<vmem>>
        %dma_wait3A_231 = tpu.memref_slice %arg7[%mul3A_226] : memref<3840xi32, #tpu.memory_space<vmem>> -> memref<128xi32, #tpu.memory_space<vmem>>
        %dma_wait3A_232 = arith.constant 0 : i32
        %dma_wait3A_233 = tpu.memref_slice %arg2[%mul3A_0, %dma_wait3A_232] : memref<100000x32xf32, #tpu.memory_space<hbm>> -> memref<50000x32xf32, #tpu.memory_space<hbm>>
        %dma_wait3A_234 = arith.constant 0 : i32
        %dma_wait3A_235 = arith.constant 0 : i32
        %dma_wait3A_236 = tpu.memref_slice %dma_wait3A_233[%dma_wait3A_234, %dma_wait3A_235] : memref<50000x32xf32, #tpu.memory_space<hbm>> -> memref<50000x32xf32, #tpu.memory_space<hbm>>
        tpu.wait_indirect_dma semaphore(%arg11 : memref<!tpu.dma_semaphore, #tpu.memory_space<semaphore_mem>>) src(%dma_wait3A_236 : memref<50000x32xf32, #tpu.memory_space<hbm>>) dst(%dma_wait3A_230 : memref<128x32xf32, #tpu.memory_space<vmem>>)
        %mul3A_237 = arith.constant 128 : i32
        %mul3A_238 = arith.muli %scan3A_178, %mul3A_237 : i32
        "tpu.region"() ({
          %run_scoped3A_301 = tpu.sem_alloc : memref<!tpu.dma_semaphore, #tpu.memory_space<semaphore_mem>>
          %dma_start3A_302 = arith.constant 0 : i32
          %dma_start3A_303 = arith.constant 0 : i32
          %dma_start3A_304 = tpu.memref_slice %arg9[%select_n3A_224, %dma_start3A_302, %dma_start3A_303] : memref<4x128x32xf32, #tpu.memory_space<vmem>> -> memref<1x128x32xf32, #tpu.memory_space<vmem>>
          %dma_start3A_305 = tpu.memref_squeeze %dma_start3A_304 : memref<1x128x32xf32, #tpu.memory_space<vmem>> -> memref<128x32xf32, #tpu.memory_space<vmem>>
          %dma_start3A_306 = tpu.memref_slice %arg8[%mul3A_238] : memref<3840xi32, #tpu.memory_space<vmem>> -> memref<128xi32, #tpu.memory_space<vmem>>
          %dma_start3A_307 = arith.constant 0 : i32
          %dma_start3A_308 = arith.constant 0 : i32
          %dma_start3A_309 = tpu.memref_slice %arg10[%dma_start3A_307, %dma_start3A_308] : memref<50048x32xf32, #tpu.memory_space<vmem_shared>> -> memref<50048x32xf32, #tpu.memory_space<vmem_shared>>
          tpu.enqueue_indirect_dma source(%dma_start3A_305 : memref<128x32xf32, #tpu.memory_space<vmem>>) target(%dma_start3A_309 : memref<50048x32xf32, #tpu.memory_space<vmem_shared>>) offsets(%dma_start3A_306 : memref<128xi32, #tpu.memory_space<vmem>>) semaphore(%run_scoped3A_301 : memref<!tpu.dma_semaphore, #tpu.memory_space<semaphore_mem>>) {add = true}
          %dma_wait3A_310 = arith.constant 0 : i32
          %dma_wait3A_311 = arith.constant 0 : i32
          %dma_wait3A_312 = tpu.memref_slice %arg9[%select_n3A_224, %dma_wait3A_310, %dma_wait3A_311] : memref<4x128x32xf32, #tpu.memory_space<vmem>> -> memref<1x128x32xf32, #tpu.memory_space<vmem>>
          %dma_wait3A_313 = tpu.memref_squeeze %dma_wait3A_312 : memref<1x128x32xf32, #tpu.memory_space<vmem>> -> memref<128x32xf32, #tpu.memory_space<vmem>>
          %dma_wait3A_314 = tpu.memref_slice %arg8[%mul3A_238] : memref<3840xi32, #tpu.memory_space<vmem>> -> memref<128xi32, #tpu.memory_space<vmem>>
          %dma_wait3A_315 = arith.constant 0 : i32
          %dma_wait3A_316 = arith.constant 0 : i32
          %dma_wait3A_317 = tpu.memref_slice %arg10[%dma_wait3A_315, %dma_wait3A_316] : memref<50048x32xf32, #tpu.memory_space<vmem_shared>> -> memref<50048x32xf32, #tpu.memory_space<vmem_shared>>
          tpu.wait_indirect_dma semaphore(%run_scoped3A_301 : memref<!tpu.dma_semaphore, #tpu.memory_space<semaphore_mem>>) src(%dma_wait3A_313 : memref<128x32xf32, #tpu.memory_space<vmem>>) dst(%dma_wait3A_317 : memref<50048x32xf32, #tpu.memory_space<vmem_shared>>)
          tpu.yield
        }) : () -> ()
        %scan3A_239 = arith.constant 1 : i32
        %scan3A_240 = arith.addi %scan3A_178, %scan3A_239 : i32
        %add3A_241 = arith.constant 3 : i32
        %add3A_242 = arith.addi %scan3A_240, %add3A_241 : i32
        %mul3A_243 = arith.constant 128 : i32
        %mul3A_244 = arith.muli %add3A_242, %mul3A_243 : i32
        %jit3A_245 = arith.constant 4 : i32
        %eq3A_246 = arith.constant 0 : i32
        %eq3A_247 = arith.cmpi eq, %jit3A_245, %eq3A_246 : i32
        %jit3A_248 = arith.constant 1 : i32
        %select_n3A_249 = arith.select %eq3A_247, %jit3A_248, %jit3A_245 : i32
        %rem3A_250 = arith.remsi %add3A_242, %select_n3A_249 : i32
        %ne3A_251 = arith.constant 0 : i32
        %ne3A_252 = arith.cmpi ne, %rem3A_250, %ne3A_251 : i32
        %lt3A_253 = arith.constant 0 : i32
        %lt3A_254 = arith.cmpi slt, %rem3A_250, %lt3A_253 : i32
        %lt3A_255 = arith.constant 0 : i32
        %lt3A_256 = arith.cmpi slt, %select_n3A_249, %lt3A_255 : i32
        %ne3A_257 = arith.xori %lt3A_254, %lt3A_256 : i1
        %and3A_258 = arith.andi %ne3A_257, %ne3A_252 : i1
        %add3A_259 = arith.addi %rem3A_250, %select_n3A_249 : i32
        %select_n3A_260 = arith.select %and3A_258, %add3A_259, %rem3A_250 : i32
        %dma_start3A_261 = arith.constant 0 : i32
        %dma_start3A_262 = arith.constant 0 : i32
        %dma_start3A_263 = tpu.memref_slice %arg9[%select_n3A_260, %dma_start3A_261, %dma_start3A_262] : memref<4x128x32xf32, #tpu.memory_space<vmem>> -> memref<1x128x32xf32, #tpu.memory_space<vmem>>
        %dma_start3A_264 = tpu.memref_squeeze %dma_start3A_263 : memref<1x128x32xf32, #tpu.memory_space<vmem>> -> memref<128x32xf32, #tpu.memory_space<vmem>>
        %dma_start3A_265 = tpu.memref_slice %arg7[%mul3A_244] : memref<3840xi32, #tpu.memory_space<vmem>> -> memref<128xi32, #tpu.memory_space<vmem>>
        %dma_start3A_266 = arith.constant 0 : i32
        %dma_start3A_267 = tpu.memref_slice %arg2[%mul3A_0, %dma_start3A_266] : memref<100000x32xf32, #tpu.memory_space<hbm>> -> memref<50000x32xf32, #tpu.memory_space<hbm>>
        %dma_start3A_268 = arith.constant 0 : i32
        %dma_start3A_269 = arith.constant 0 : i32
        %dma_start3A_270 = tpu.memref_slice %dma_start3A_267[%dma_start3A_268, %dma_start3A_269] : memref<50000x32xf32, #tpu.memory_space<hbm>> -> memref<50000x32xf32, #tpu.memory_space<hbm>>
        tpu.enqueue_indirect_dma source(%dma_start3A_270 : memref<50000x32xf32, #tpu.memory_space<hbm>>) target(%dma_start3A_264 : memref<128x32xf32, #tpu.memory_space<vmem>>) offsets(%dma_start3A_265 : memref<128xi32, #tpu.memory_space<vmem>>) semaphore(%arg11 : memref<!tpu.dma_semaphore, #tpu.memory_space<semaphore_mem>>)
        %jit3A_271 = arith.constant 4 : i32
        %eq3A_272 = arith.constant 0 : i32
        %eq3A_273 = arith.cmpi eq, %jit3A_271, %eq3A_272 : i32
        %jit3A_274 = arith.constant 1 : i32
        %select_n3A_275 = arith.select %eq3A_273, %jit3A_274, %jit3A_271 : i32
        %rem3A_276 = arith.remsi %scan3A_240, %select_n3A_275 : i32
        %ne3A_277 = arith.constant 0 : i32
        %ne3A_278 = arith.cmpi ne, %rem3A_276, %ne3A_277 : i32
        %lt3A_279 = arith.constant 0 : i32
        %lt3A_280 = arith.cmpi slt, %rem3A_276, %lt3A_279 : i32
        %lt3A_281 = arith.constant 0 : i32
        %lt3A_282 = arith.cmpi slt, %select_n3A_275, %lt3A_281 : i32
        %ne3A_283 = arith.xori %lt3A_280, %lt3A_282 : i1
        %and3A_284 = arith.andi %ne3A_283, %ne3A_278 : i1
        %add3A_285 = arith.addi %rem3A_276, %select_n3A_275 : i32
        %select_n3A_286 = arith.select %and3A_284, %add3A_285, %rem3A_276 : i32
        %mul3A_287 = arith.constant 128 : i32
        %mul3A_288 = arith.muli %scan3A_240, %mul3A_287 : i32
        %dma_wait3A_289 = arith.constant 0 : i32
        %dma_wait3A_290 = arith.constant 0 : i32
        %dma_wait3A_291 = tpu.memref_slice %arg9[%select_n3A_286, %dma_wait3A_289, %dma_wait3A_290] : memref<4x128x32xf32, #tpu.memory_space<vmem>> -> memref<1x128x32xf32, #tpu.memory_space<vmem>>
        %dma_wait3A_292 = tpu.memref_squeeze %dma_wait3A_291 : memref<1x128x32xf32, #tpu.memory_space<vmem>> -> memref<128x32xf32, #tpu.memory_space<vmem>>
        %dma_wait3A_293 = tpu.memref_slice %arg7[%mul3A_288] : memref<3840xi32, #tpu.memory_space<vmem>> -> memref<128xi32, #tpu.memory_space<vmem>>
        %dma_wait3A_294 = arith.constant 0 : i32
        %dma_wait3A_295 = tpu.memref_slice %arg2[%mul3A_0, %dma_wait3A_294] : memref<100000x32xf32, #tpu.memory_space<hbm>> -> memref<50000x32xf32, #tpu.memory_space<hbm>>
        %dma_wait3A_296 = arith.constant 0 : i32
        %dma_wait3A_297 = arith.constant 0 : i32
        %dma_wait3A_298 = tpu.memref_slice %dma_wait3A_295[%dma_wait3A_296, %dma_wait3A_297] : memref<50000x32xf32, #tpu.memory_space<hbm>> -> memref<50000x32xf32, #tpu.memory_space<hbm>>
        tpu.wait_indirect_dma semaphore(%arg11 : memref<!tpu.dma_semaphore, #tpu.memory_space<semaphore_mem>>) src(%dma_wait3A_298 : memref<50000x32xf32, #tpu.memory_space<hbm>>) dst(%dma_wait3A_292 : memref<128x32xf32, #tpu.memory_space<vmem>>)
        %mul3A_299 = arith.constant 128 : i32
        %mul3A_300 = arith.muli %scan3A_240, %mul3A_299 : i32
        "tpu.region"() ({
          %run_scoped3A_301 = tpu.sem_alloc : memref<!tpu.dma_semaphore, #tpu.memory_space<semaphore_mem>>
          %dma_start3A_302 = arith.constant 0 : i32
          %dma_start3A_303 = arith.constant 0 : i32
          %dma_start3A_304 = tpu.memref_slice %arg9[%select_n3A_286, %dma_start3A_302, %dma_start3A_303] : memref<4x128x32xf32, #tpu.memory_space<vmem>> -> memref<1x128x32xf32, #tpu.memory_space<vmem>>
          %dma_start3A_305 = tpu.memref_squeeze %dma_start3A_304 : memref<1x128x32xf32, #tpu.memory_space<vmem>> -> memref<128x32xf32, #tpu.memory_space<vmem>>
          %dma_start3A_306 = tpu.memref_slice %arg8[%mul3A_300] : memref<3840xi32, #tpu.memory_space<vmem>> -> memref<128xi32, #tpu.memory_space<vmem>>
          %dma_start3A_307 = arith.constant 0 : i32
          %dma_start3A_308 = arith.constant 0 : i32
          %dma_start3A_309 = tpu.memref_slice %arg10[%dma_start3A_307, %dma_start3A_308] : memref<50048x32xf32, #tpu.memory_space<vmem_shared>> -> memref<50048x32xf32, #tpu.memory_space<vmem_shared>>
          tpu.enqueue_indirect_dma source(%dma_start3A_305 : memref<128x32xf32, #tpu.memory_space<vmem>>) target(%dma_start3A_309 : memref<50048x32xf32, #tpu.memory_space<vmem_shared>>) offsets(%dma_start3A_306 : memref<128xi32, #tpu.memory_space<vmem>>) semaphore(%run_scoped3A_301 : memref<!tpu.dma_semaphore, #tpu.memory_space<semaphore_mem>>) {add = true}
          %dma_wait3A_310 = arith.constant 0 : i32
          %dma_wait3A_311 = arith.constant 0 : i32
          %dma_wait3A_312 = tpu.memref_slice %arg9[%select_n3A_286, %dma_wait3A_310, %dma_wait3A_311] : memref<4x128x32xf32, #tpu.memory_space<vmem>> -> memref<1x128x32xf32, #tpu.memory_space<vmem>>
          %dma_wait3A_313 = tpu.memref_squeeze %dma_wait3A_312 : memref<1x128x32xf32, #tpu.memory_space<vmem>> -> memref<128x32xf32, #tpu.memory_space<vmem>>
          %dma_wait3A_314 = tpu.memref_slice %arg8[%mul3A_300] : memref<3840xi32, #tpu.memory_space<vmem>> -> memref<128xi32, #tpu.memory_space<vmem>>
          %dma_wait3A_315 = arith.constant 0 : i32
          %dma_wait3A_316 = arith.constant 0 : i32
          %dma_wait3A_317 = tpu.memref_slice %arg10[%dma_wait3A_315, %dma_wait3A_316] : memref<50048x32xf32, #tpu.memory_space<vmem_shared>> -> memref<50048x32xf32, #tpu.memory_space<vmem_shared>>
          tpu.wait_indirect_dma semaphore(%run_scoped3A_301 : memref<!tpu.dma_semaphore, #tpu.memory_space<semaphore_mem>>) src(%dma_wait3A_313 : memref<128x32xf32, #tpu.memory_space<vmem>>) dst(%dma_wait3A_317 : memref<50048x32xf32, #tpu.memory_space<vmem_shared>>)
          tpu.yield
        }) : () -> ()
      }
      %scan3A_83 = arith.constant 26 : i32
      %scan3A_84 = arith.addi %scan3A_79, %scan3A_83 : i32
      %add3A_85 = arith.constant 3 : i32
      %add3A_86 = arith.addi %scan3A_84, %add3A_85 : i32
      %mul3A_87 = arith.constant 128 : i32
      %mul3A_88 = arith.muli %add3A_86, %mul3A_87 : i32
      %jit3A = arith.constant 4 : i32
      %eq3A = arith.constant 0 : i32
      %eq3A_89 = arith.cmpi eq, %jit3A, %eq3A : i32
      %jit3A_90 = arith.constant 1 : i32
      %select_n3A = arith.select %eq3A_89, %jit3A_90, %jit3A : i32
      %rem3A = arith.remsi %add3A_86, %select_n3A : i32
      %ne3A = arith.constant 0 : i32
      %ne3A_91 = arith.cmpi ne, %rem3A, %ne3A : i32
      %lt3A = arith.constant 0 : i32
      %lt3A_92 = arith.cmpi slt, %rem3A, %lt3A : i32
      %lt3A_93 = arith.constant 0 : i32
      %lt3A_94 = arith.cmpi slt, %select_n3A, %lt3A_93 : i32
      %ne3A_95 = arith.xori %lt3A_92, %lt3A_94 : i1
      %and3A = arith.andi %ne3A_95, %ne3A_91 : i1
      %add3A_96 = arith.addi %rem3A, %select_n3A : i32
      %select_n3A_97 = arith.select %and3A, %add3A_96, %rem3A : i32
      %dma_start3A_98 = arith.constant 0 : i32
      %dma_start3A_99 = arith.constant 0 : i32
      %dma_start3A_100 = tpu.memref_slice %arg9[%select_n3A_97, %dma_start3A_98, %dma_start3A_99] : memref<4x128x32xf32, #tpu.memory_space<vmem>> -> memref<1x128x32xf32, #tpu.memory_space<vmem>>
      %dma_start3A_101 = tpu.memref_squeeze %dma_start3A_100 : memref<1x128x32xf32, #tpu.memory_space<vmem>> -> memref<128x32xf32, #tpu.memory_space<vmem>>
      %dma_start3A_102 = tpu.memref_slice %arg7[%mul3A_88] : memref<3840xi32, #tpu.memory_space<vmem>> -> memref<128xi32, #tpu.memory_space<vmem>>
      %dma_start3A_103 = arith.constant 0 : i32
      %dma_start3A_104 = tpu.memref_slice %arg2[%mul3A_0, %dma_start3A_103] : memref<100000x32xf32, #tpu.memory_space<hbm>> -> memref<50000x32xf32, #tpu.memory_space<hbm>>
      %dma_start3A_105 = arith.constant 0 : i32
      %dma_start3A_106 = arith.constant 0 : i32
      %dma_start3A_107 = tpu.memref_slice %dma_start3A_104[%dma_start3A_105, %dma_start3A_106] : memref<50000x32xf32, #tpu.memory_space<hbm>> -> memref<50000x32xf32, #tpu.memory_space<hbm>>
      tpu.enqueue_indirect_dma source(%dma_start3A_107 : memref<50000x32xf32, #tpu.memory_space<hbm>>) target(%dma_start3A_101 : memref<128x32xf32, #tpu.memory_space<vmem>>) offsets(%dma_start3A_102 : memref<128xi32, #tpu.memory_space<vmem>>) semaphore(%arg11 : memref<!tpu.dma_semaphore, #tpu.memory_space<semaphore_mem>>)
      %jit3A_108 = arith.constant 4 : i32
      %eq3A_109 = arith.constant 0 : i32
      %eq3A_110 = arith.cmpi eq, %jit3A_108, %eq3A_109 : i32
      %jit3A_111 = arith.constant 1 : i32
      %select_n3A_112 = arith.select %eq3A_110, %jit3A_111, %jit3A_108 : i32
      %rem3A_113 = arith.remsi %scan3A_84, %select_n3A_112 : i32
      %ne3A_114 = arith.constant 0 : i32
      %ne3A_115 = arith.cmpi ne, %rem3A_113, %ne3A_114 : i32
      %lt3A_116 = arith.constant 0 : i32
      %lt3A_117 = arith.cmpi slt, %rem3A_113, %lt3A_116 : i32
      %lt3A_118 = arith.constant 0 : i32
      %lt3A_119 = arith.cmpi slt, %select_n3A_112, %lt3A_118 : i32
      %ne3A_120 = arith.xori %lt3A_117, %lt3A_119 : i1
      %and3A_121 = arith.andi %ne3A_120, %ne3A_115 : i1
      %add3A_122 = arith.addi %rem3A_113, %select_n3A_112 : i32
      %select_n3A_123 = arith.select %and3A_121, %add3A_122, %rem3A_113 : i32
      %mul3A_124 = arith.constant 128 : i32
      %mul3A_125 = arith.muli %scan3A_84, %mul3A_124 : i32
      %dma_wait3A_126 = arith.constant 0 : i32
      %dma_wait3A_127 = arith.constant 0 : i32
      %dma_wait3A_128 = tpu.memref_slice %arg9[%select_n3A_123, %dma_wait3A_126, %dma_wait3A_127] : memref<4x128x32xf32, #tpu.memory_space<vmem>> -> memref<1x128x32xf32, #tpu.memory_space<vmem>>
      %dma_wait3A_129 = tpu.memref_squeeze %dma_wait3A_128 : memref<1x128x32xf32, #tpu.memory_space<vmem>> -> memref<128x32xf32, #tpu.memory_space<vmem>>
      %dma_wait3A_130 = tpu.memref_slice %arg7[%mul3A_125] : memref<3840xi32, #tpu.memory_space<vmem>> -> memref<128xi32, #tpu.memory_space<vmem>>
      %dma_wait3A_131 = arith.constant 0 : i32
      %dma_wait3A_132 = tpu.memref_slice %arg2[%mul3A_0, %dma_wait3A_131] : memref<100000x32xf32, #tpu.memory_space<hbm>> -> memref<50000x32xf32, #tpu.memory_space<hbm>>
      %dma_wait3A_133 = arith.constant 0 : i32
      %dma_wait3A_134 = arith.constant 0 : i32
      %dma_wait3A_135 = tpu.memref_slice %dma_wait3A_132[%dma_wait3A_133, %dma_wait3A_134] : memref<50000x32xf32, #tpu.memory_space<hbm>> -> memref<50000x32xf32, #tpu.memory_space<hbm>>
      tpu.wait_indirect_dma semaphore(%arg11 : memref<!tpu.dma_semaphore, #tpu.memory_space<semaphore_mem>>) src(%dma_wait3A_135 : memref<50000x32xf32, #tpu.memory_space<hbm>>) dst(%dma_wait3A_129 : memref<128x32xf32, #tpu.memory_space<vmem>>)
      %mul3A_136 = arith.constant 128 : i32
      %mul3A_137 = arith.muli %scan3A_84, %mul3A_136 : i32
      "tpu.region"() ({
        %run_scoped3A_178 = tpu.sem_alloc : memref<!tpu.dma_semaphore, #tpu.memory_space<semaphore_mem>>
        %dma_start3A_179 = arith.constant 0 : i32
        %dma_start3A_180 = arith.constant 0 : i32
        %dma_start3A_181 = tpu.memref_slice %arg9[%select_n3A_123, %dma_start3A_179, %dma_start3A_180] : memref<4x128x32xf32, #tpu.memory_space<vmem>> -> memref<1x128x32xf32, #tpu.memory_space<vmem>>
        %dma_start3A_182 = tpu.memref_squeeze %dma_start3A_181 : memref<1x128x32xf32, #tpu.memory_space<vmem>> -> memref<128x32xf32, #tpu.memory_space<vmem>>
        %dma_start3A_183 = tpu.memref_slice %arg8[%mul3A_137] : memref<3840xi32, #tpu.memory_space<vmem>> -> memref<128xi32, #tpu.memory_space<vmem>>
        %dma_start3A_184 = arith.constant 0 : i32
        %dma_start3A_185 = arith.constant 0 : i32
        %dma_start3A_186 = tpu.memref_slice %arg10[%dma_start3A_184, %dma_start3A_185] : memref<50048x32xf32, #tpu.memory_space<vmem_shared>> -> memref<50048x32xf32, #tpu.memory_space<vmem_shared>>
        tpu.enqueue_indirect_dma source(%dma_start3A_182 : memref<128x32xf32, #tpu.memory_space<vmem>>) target(%dma_start3A_186 : memref<50048x32xf32, #tpu.memory_space<vmem_shared>>) offsets(%dma_start3A_183 : memref<128xi32, #tpu.memory_space<vmem>>) semaphore(%run_scoped3A_178 : memref<!tpu.dma_semaphore, #tpu.memory_space<semaphore_mem>>) {add = true}
        %dma_wait3A_187 = arith.constant 0 : i32
        %dma_wait3A_188 = arith.constant 0 : i32
        %dma_wait3A_189 = tpu.memref_slice %arg9[%select_n3A_123, %dma_wait3A_187, %dma_wait3A_188] : memref<4x128x32xf32, #tpu.memory_space<vmem>> -> memref<1x128x32xf32, #tpu.memory_space<vmem>>
        %dma_wait3A_190 = tpu.memref_squeeze %dma_wait3A_189 : memref<1x128x32xf32, #tpu.memory_space<vmem>> -> memref<128x32xf32, #tpu.memory_space<vmem>>
        %dma_wait3A_191 = tpu.memref_slice %arg8[%mul3A_137] : memref<3840xi32, #tpu.memory_space<vmem>> -> memref<128xi32, #tpu.memory_space<vmem>>
        %dma_wait3A_192 = arith.constant 0 : i32
        %dma_wait3A_193 = arith.constant 0 : i32
        %dma_wait3A_194 = tpu.memref_slice %arg10[%dma_wait3A_192, %dma_wait3A_193] : memref<50048x32xf32, #tpu.memory_space<vmem_shared>> -> memref<50048x32xf32, #tpu.memory_space<vmem_shared>>
        tpu.wait_indirect_dma semaphore(%run_scoped3A_178 : memref<!tpu.dma_semaphore, #tpu.memory_space<semaphore_mem>>) src(%dma_wait3A_190 : memref<128x32xf32, #tpu.memory_space<vmem>>) dst(%dma_wait3A_194 : memref<50048x32xf32, #tpu.memory_space<vmem_shared>>)
        tpu.yield
      }) : () -> ()
      %scan3A_138 = arith.constant 27 : i32
      %dma_wait3A_139 = arith.constant 3 : i32
      %dma_wait3A_140 = arith.constant 0 : i32
      %dma_wait3A_141 = arith.constant 0 : i32
      %dma_wait3A_142 = tpu.memref_slice %arg9[%dma_wait3A_139, %dma_wait3A_140, %dma_wait3A_141] : memref<4x128x32xf32, #tpu.memory_space<vmem>> -> memref<1x128x32xf32, #tpu.memory_space<vmem>>
      %dma_wait3A_143 = tpu.memref_squeeze %dma_wait3A_142 : memref<1x128x32xf32, #tpu.memory_space<vmem>> -> memref<128x32xf32, #tpu.memory_space<vmem>>
      %dma_wait3A_144 = arith.constant 3456 : i32
      %dma_wait3A_145 = tpu.memref_slice %arg7[%dma_wait3A_144] : memref<3840xi32, #tpu.memory_space<vmem>> -> memref<128xi32, #tpu.memory_space<vmem>>
      %dma_wait3A_146 = arith.constant 0 : i32
      %dma_wait3A_147 = tpu.memref_slice %arg2[%mul3A_0, %dma_wait3A_146] : memref<100000x32xf32, #tpu.memory_space<hbm>> -> memref<50000x32xf32, #tpu.memory_space<hbm>>
      %dma_wait3A_148 = arith.constant 0 : i32
      %dma_wait3A_149 = arith.constant 0 : i32
      %dma_wait3A_150 = tpu.memref_slice %dma_wait3A_147[%dma_wait3A_148, %dma_wait3A_149] : memref<50000x32xf32, #tpu.memory_space<hbm>> -> memref<50000x32xf32, #tpu.memory_space<hbm>>
      tpu.wait_indirect_dma semaphore(%arg11 : memref<!tpu.dma_semaphore, #tpu.memory_space<semaphore_mem>>) src(%dma_wait3A_150 : memref<50000x32xf32, #tpu.memory_space<hbm>>) dst(%dma_wait3A_143 : memref<128x32xf32, #tpu.memory_space<vmem>>)
      %run_scoped3A_151 = arith.constant 3 : i32
      "tpu.region"() ({
        %run_scoped3A_178 = tpu.sem_alloc : memref<!tpu.dma_semaphore, #tpu.memory_space<semaphore_mem>>
        %dma_start3A_179 = arith.constant 0 : i32
        %dma_start3A_180 = arith.constant 0 : i32
        %dma_start3A_181 = tpu.memref_slice %arg9[%run_scoped3A_151, %dma_start3A_179, %dma_start3A_180] : memref<4x128x32xf32, #tpu.memory_space<vmem>> -> memref<1x128x32xf32, #tpu.memory_space<vmem>>
        %dma_start3A_182 = tpu.memref_squeeze %dma_start3A_181 : memref<1x128x32xf32, #tpu.memory_space<vmem>> -> memref<128x32xf32, #tpu.memory_space<vmem>>
        %dma_start3A_183 = arith.constant 3456 : i32
        %dma_start3A_184 = tpu.memref_slice %arg8[%dma_start3A_183] : memref<3840xi32, #tpu.memory_space<vmem>> -> memref<128xi32, #tpu.memory_space<vmem>>
        %dma_start3A_185 = arith.constant 0 : i32
        %dma_start3A_186 = arith.constant 0 : i32
        %dma_start3A_187 = tpu.memref_slice %arg10[%dma_start3A_185, %dma_start3A_186] : memref<50048x32xf32, #tpu.memory_space<vmem_shared>> -> memref<50048x32xf32, #tpu.memory_space<vmem_shared>>
        tpu.enqueue_indirect_dma source(%dma_start3A_182 : memref<128x32xf32, #tpu.memory_space<vmem>>) target(%dma_start3A_187 : memref<50048x32xf32, #tpu.memory_space<vmem_shared>>) offsets(%dma_start3A_184 : memref<128xi32, #tpu.memory_space<vmem>>) semaphore(%run_scoped3A_178 : memref<!tpu.dma_semaphore, #tpu.memory_space<semaphore_mem>>) {add = true}
        %dma_wait3A_188 = arith.constant 0 : i32
        %dma_wait3A_189 = arith.constant 0 : i32
        %dma_wait3A_190 = tpu.memref_slice %arg9[%run_scoped3A_151, %dma_wait3A_188, %dma_wait3A_189] : memref<4x128x32xf32, #tpu.memory_space<vmem>> -> memref<1x128x32xf32, #tpu.memory_space<vmem>>
        %dma_wait3A_191 = tpu.memref_squeeze %dma_wait3A_190 : memref<1x128x32xf32, #tpu.memory_space<vmem>> -> memref<128x32xf32, #tpu.memory_space<vmem>>
        %dma_wait3A_192 = arith.constant 3456 : i32
        %dma_wait3A_193 = tpu.memref_slice %arg8[%dma_wait3A_192] : memref<3840xi32, #tpu.memory_space<vmem>> -> memref<128xi32, #tpu.memory_space<vmem>>
        %dma_wait3A_194 = arith.constant 0 : i32
        %dma_wait3A_195 = arith.constant 0 : i32
        %dma_wait3A_196 = tpu.memref_slice %arg10[%dma_wait3A_194, %dma_wait3A_195] : memref<50048x32xf32, #tpu.memory_space<vmem_shared>> -> memref<50048x32xf32, #tpu.memory_space<vmem_shared>>
        tpu.wait_indirect_dma semaphore(%run_scoped3A_178 : memref<!tpu.dma_semaphore, #tpu.memory_space<semaphore_mem>>) src(%dma_wait3A_191 : memref<128x32xf32, #tpu.memory_space<vmem>>) dst(%dma_wait3A_196 : memref<50048x32xf32, #tpu.memory_space<vmem_shared>>)
        tpu.yield
      }) : () -> ()
      %dma_wait3A_152 = arith.constant 0 : i32
      %dma_wait3A_153 = arith.constant 0 : i32
      %dma_wait3A_154 = arith.constant 0 : i32
      %dma_wait3A_155 = tpu.memref_slice %arg9[%dma_wait3A_152, %dma_wait3A_153, %dma_wait3A_154] : memref<4x128x32xf32, #tpu.memory_space<vmem>> -> memref<1x128x32xf32, #tpu.memory_space<vmem>>
      %dma_wait3A_156 = tpu.memref_squeeze %dma_wait3A_155 : memref<1x128x32xf32, #tpu.memory_space<vmem>> -> memref<128x32xf32, #tpu.memory_space<vmem>>
      %dma_wait3A_157 = arith.constant 3584 : i32
      %dma_wait3A_158 = tpu.memref_slice %arg7[%dma_wait3A_157] : memref<3840xi32, #tpu.memory_space<vmem>> -> memref<128xi32, #tpu.memory_space<vmem>>
      %dma_wait3A_159 = arith.constant 0 : i32
      %dma_wait3A_160 = tpu.memref_slice %arg2[%mul3A_0, %dma_wait3A_159] : memref<100000x32xf32, #tpu.memory_space<hbm>> -> memref<50000x32xf32, #tpu.memory_space<hbm>>
      %dma_wait3A_161 = arith.constant 0 : i32
      %dma_wait3A_162 = arith.constant 0 : i32
      %dma_wait3A_163 = tpu.memref_slice %dma_wait3A_160[%dma_wait3A_161, %dma_wait3A_162] : memref<50000x32xf32, #tpu.memory_space<hbm>> -> memref<50000x32xf32, #tpu.memory_space<hbm>>
      tpu.wait_indirect_dma semaphore(%arg11 : memref<!tpu.dma_semaphore, #tpu.memory_space<semaphore_mem>>) src(%dma_wait3A_163 : memref<50000x32xf32, #tpu.memory_space<hbm>>) dst(%dma_wait3A_156 : memref<128x32xf32, #tpu.memory_space<vmem>>)
      %run_scoped3A_164 = arith.constant 0 : i32
      "tpu.region"() ({
        %run_scoped3A_178 = tpu.sem_alloc : memref<!tpu.dma_semaphore, #tpu.memory_space<semaphore_mem>>
        %dma_start3A_179 = arith.constant 0 : i32
        %dma_start3A_180 = arith.constant 0 : i32
        %dma_start3A_181 = tpu.memref_slice %arg9[%run_scoped3A_164, %dma_start3A_179, %dma_start3A_180] : memref<4x128x32xf32, #tpu.memory_space<vmem>> -> memref<1x128x32xf32, #tpu.memory_space<vmem>>
        %dma_start3A_182 = tpu.memref_squeeze %dma_start3A_181 : memref<1x128x32xf32, #tpu.memory_space<vmem>> -> memref<128x32xf32, #tpu.memory_space<vmem>>
        %dma_start3A_183 = arith.constant 3584 : i32
        %dma_start3A_184 = tpu.memref_slice %arg8[%dma_start3A_183] : memref<3840xi32, #tpu.memory_space<vmem>> -> memref<128xi32, #tpu.memory_space<vmem>>
        %dma_start3A_185 = arith.constant 0 : i32
        %dma_start3A_186 = arith.constant 0 : i32
        %dma_start3A_187 = tpu.memref_slice %arg10[%dma_start3A_185, %dma_start3A_186] : memref<50048x32xf32, #tpu.memory_space<vmem_shared>> -> memref<50048x32xf32, #tpu.memory_space<vmem_shared>>
        tpu.enqueue_indirect_dma source(%dma_start3A_182 : memref<128x32xf32, #tpu.memory_space<vmem>>) target(%dma_start3A_187 : memref<50048x32xf32, #tpu.memory_space<vmem_shared>>) offsets(%dma_start3A_184 : memref<128xi32, #tpu.memory_space<vmem>>) semaphore(%run_scoped3A_178 : memref<!tpu.dma_semaphore, #tpu.memory_space<semaphore_mem>>) {add = true}
        %dma_wait3A_188 = arith.constant 0 : i32
        %dma_wait3A_189 = arith.constant 0 : i32
        %dma_wait3A_190 = tpu.memref_slice %arg9[%run_scoped3A_164, %dma_wait3A_188, %dma_wait3A_189] : memref<4x128x32xf32, #tpu.memory_space<vmem>> -> memref<1x128x32xf32, #tpu.memory_space<vmem>>
        %dma_wait3A_191 = tpu.memref_squeeze %dma_wait3A_190 : memref<1x128x32xf32, #tpu.memory_space<vmem>> -> memref<128x32xf32, #tpu.memory_space<vmem>>
        %dma_wait3A_192 = arith.constant 3584 : i32
        %dma_wait3A_193 = tpu.memref_slice %arg8[%dma_wait3A_192] : memref<3840xi32, #tpu.memory_space<vmem>> -> memref<128xi32, #tpu.memory_space<vmem>>
        %dma_wait3A_194 = arith.constant 0 : i32
        %dma_wait3A_195 = arith.constant 0 : i32
        %dma_wait3A_196 = tpu.memref_slice %arg10[%dma_wait3A_194, %dma_wait3A_195] : memref<50048x32xf32, #tpu.memory_space<vmem_shared>> -> memref<50048x32xf32, #tpu.memory_space<vmem_shared>>
        tpu.wait_indirect_dma semaphore(%run_scoped3A_178 : memref<!tpu.dma_semaphore, #tpu.memory_space<semaphore_mem>>) src(%dma_wait3A_191 : memref<128x32xf32, #tpu.memory_space<vmem>>) dst(%dma_wait3A_196 : memref<50048x32xf32, #tpu.memory_space<vmem_shared>>)
        tpu.yield
      }) : () -> ()
      %dma_wait3A_165 = arith.constant 1 : i32
      %dma_wait3A_166 = arith.constant 0 : i32
      %dma_wait3A_167 = arith.constant 0 : i32
      %dma_wait3A_168 = tpu.memref_slice %arg9[%dma_wait3A_165, %dma_wait3A_166, %dma_wait3A_167] : memref<4x128x32xf32, #tpu.memory_space<vmem>> -> memref<1x128x32xf32, #tpu.memory_space<vmem>>
      %dma_wait3A_169 = tpu.memref_squeeze %dma_wait3A_168 : memref<1x128x32xf32, #tpu.memory_space<vmem>> -> memref<128x32xf32, #tpu.memory_space<vmem>>
      %dma_wait3A_170 = arith.constant 3712 : i32
      %dma_wait3A_171 = tpu.memref_slice %arg7[%dma_wait3A_170] : memref<3840xi32, #tpu.memory_space<vmem>> -> memref<128xi32, #tpu.memory_space<vmem>>
      %dma_wait3A_172 = arith.constant 0 : i32
      %dma_wait3A_173 = tpu.memref_slice %arg2[%mul3A_0, %dma_wait3A_172] : memref<100000x32xf32, #tpu.memory_space<hbm>> -> memref<50000x32xf32, #tpu.memory_space<hbm>>
      %dma_wait3A_174 = arith.constant 0 : i32
      %dma_wait3A_175 = arith.constant 0 : i32
      %dma_wait3A_176 = tpu.memref_slice %dma_wait3A_173[%dma_wait3A_174, %dma_wait3A_175] : memref<50000x32xf32, #tpu.memory_space<hbm>> -> memref<50000x32xf32, #tpu.memory_space<hbm>>
      tpu.wait_indirect_dma semaphore(%arg11 : memref<!tpu.dma_semaphore, #tpu.memory_space<semaphore_mem>>) src(%dma_wait3A_176 : memref<50000x32xf32, #tpu.memory_space<hbm>>) dst(%dma_wait3A_169 : memref<128x32xf32, #tpu.memory_space<vmem>>)
      %run_scoped3A_177 = arith.constant 1 : i32
      "tpu.region"() ({
        %run_scoped3A_178 = tpu.sem_alloc : memref<!tpu.dma_semaphore, #tpu.memory_space<semaphore_mem>>
        %dma_start3A_179 = arith.constant 0 : i32
        %dma_start3A_180 = arith.constant 0 : i32
        %dma_start3A_181 = tpu.memref_slice %arg9[%run_scoped3A_177, %dma_start3A_179, %dma_start3A_180] : memref<4x128x32xf32, #tpu.memory_space<vmem>> -> memref<1x128x32xf32, #tpu.memory_space<vmem>>
        %dma_start3A_182 = tpu.memref_squeeze %dma_start3A_181 : memref<1x128x32xf32, #tpu.memory_space<vmem>> -> memref<128x32xf32, #tpu.memory_space<vmem>>
        %dma_start3A_183 = arith.constant 3712 : i32
        %dma_start3A_184 = tpu.memref_slice %arg8[%dma_start3A_183] : memref<3840xi32, #tpu.memory_space<vmem>> -> memref<128xi32, #tpu.memory_space<vmem>>
        %dma_start3A_185 = arith.constant 0 : i32
        %dma_start3A_186 = arith.constant 0 : i32
        %dma_start3A_187 = tpu.memref_slice %arg10[%dma_start3A_185, %dma_start3A_186] : memref<50048x32xf32, #tpu.memory_space<vmem_shared>> -> memref<50048x32xf32, #tpu.memory_space<vmem_shared>>
        tpu.enqueue_indirect_dma source(%dma_start3A_182 : memref<128x32xf32, #tpu.memory_space<vmem>>) target(%dma_start3A_187 : memref<50048x32xf32, #tpu.memory_space<vmem_shared>>) offsets(%dma_start3A_184 : memref<128xi32, #tpu.memory_space<vmem>>) semaphore(%run_scoped3A_178 : memref<!tpu.dma_semaphore, #tpu.memory_space<semaphore_mem>>) {add = true}
        %dma_wait3A_188 = arith.constant 0 : i32
        %dma_wait3A_189 = arith.constant 0 : i32
        %dma_wait3A_190 = tpu.memref_slice %arg9[%run_scoped3A_177, %dma_wait3A_188, %dma_wait3A_189] : memref<4x128x32xf32, #tpu.memory_space<vmem>> -> memref<1x128x32xf32, #tpu.memory_space<vmem>>
        %dma_wait3A_191 = tpu.memref_squeeze %dma_wait3A_190 : memref<1x128x32xf32, #tpu.memory_space<vmem>> -> memref<128x32xf32, #tpu.memory_space<vmem>>
        %dma_wait3A_192 = arith.constant 3712 : i32
        %dma_wait3A_193 = tpu.memref_slice %arg8[%dma_wait3A_192] : memref<3840xi32, #tpu.memory_space<vmem>> -> memref<128xi32, #tpu.memory_space<vmem>>
        %dma_wait3A_194 = arith.constant 0 : i32
        %dma_wait3A_195 = arith.constant 0 : i32
        %dma_wait3A_196 = tpu.memref_slice %arg10[%dma_wait3A_194, %dma_wait3A_195] : memref<50048x32xf32, #tpu.memory_space<vmem_shared>> -> memref<50048x32xf32, #tpu.memory_space<vmem_shared>>
        tpu.wait_indirect_dma semaphore(%run_scoped3A_178 : memref<!tpu.dma_semaphore, #tpu.memory_space<semaphore_mem>>) src(%dma_wait3A_191 : memref<128x32xf32, #tpu.memory_space<vmem>>) dst(%dma_wait3A_196 : memref<50048x32xf32, #tpu.memory_space<vmem_shared>>)
        tpu.yield
      }) : () -> ()
    }
    %scan3A_9 = arith.constant 13 : i32
    %add3A = arith.constant 49920 : i32
    %add3A_10 = arith.addi %mul3A_2, %add3A : i32
    "tpu.region"() ({
      %run_scoped3A_38 = tpu.sem_alloc : memref<!tpu.dma_semaphore, #tpu.memory_space<semaphore_mem>>
      %dma_start3A_39 = arith.constant 0 : i32
      %dma_start3A_40 = tpu.memref_slice %arg7[%dma_start3A_39] : memref<3840xi32, #tpu.memory_space<vmem>> -> memref<80xi32, #tpu.memory_space<vmem>>
      %dma_start3A_41 = tpu.memref_slice %arg3[%add3A_10] : memref<800000xi32, #tpu.memory_space<hbm>> -> memref<80xi32, #tpu.memory_space<hbm>>
      %dma_start3A_42 = arith.constant 0 : i32
      %dma_start3A_43 = tpu.memref_slice %arg7[%dma_start3A_42] : memref<3840xi32, #tpu.memory_space<vmem>> -> memref<80xi32, #tpu.memory_space<vmem>>
      %dma_start3A_44 = tpu.memref_slice %arg3[%add3A_10] : memref<800000xi32, #tpu.memory_space<hbm>> -> memref<80xi32, #tpu.memory_space<hbm>>
      tpu.enqueue_dma source(%dma_start3A_44 : memref<80xi32, #tpu.memory_space<hbm>>) target(%dma_start3A_43 : memref<80xi32, #tpu.memory_space<vmem>>) target_semaphore(%run_scoped3A_38 : memref<!tpu.dma_semaphore, #tpu.memory_space<semaphore_mem>>)
      %dma_wait3A_45 = arith.constant 0 : i32
      %dma_wait3A_46 = tpu.memref_slice %arg7[%dma_wait3A_45] : memref<3840xi32, #tpu.memory_space<vmem>> -> memref<80xi32, #tpu.memory_space<vmem>>
      %dma_wait3A_47 = tpu.memref_slice %arg3[%add3A_10] : memref<800000xi32, #tpu.memory_space<hbm>> -> memref<80xi32, #tpu.memory_space<hbm>>
      %dma_wait3A_48 = arith.constant 0 : i32
      %dma_wait3A_49 = tpu.memref_slice %arg7[%dma_wait3A_48] : memref<3840xi32, #tpu.memory_space<vmem>> -> memref<80xi32, #tpu.memory_space<vmem>>
      %dma_wait3A_50 = tpu.memref_slice %arg3[%add3A_10] : memref<800000xi32, #tpu.memory_space<hbm>> -> memref<80xi32, #tpu.memory_space<hbm>>
      tpu.wait_dma2 semaphore(%run_scoped3A_38 : memref<!tpu.dma_semaphore, #tpu.memory_space<semaphore_mem>>) src(%dma_wait3A_50 : memref<80xi32, #tpu.memory_space<hbm>>) dst(%dma_wait3A_49 : memref<80xi32, #tpu.memory_space<vmem>>)
      tpu.yield
    }) : () -> ()
    "tpu.region"() ({
      %run_scoped3A_38 = tpu.sem_alloc : memref<!tpu.dma_semaphore, #tpu.memory_space<semaphore_mem>>
      %dma_start3A_39 = arith.constant 0 : i32
      %dma_start3A_40 = tpu.memref_slice %arg8[%dma_start3A_39] : memref<3840xi32, #tpu.memory_space<vmem>> -> memref<80xi32, #tpu.memory_space<vmem>>
      %dma_start3A_41 = tpu.memref_slice %arg4[%add3A_10] : memref<800000xi32, #tpu.memory_space<hbm>> -> memref<80xi32, #tpu.memory_space<hbm>>
      %dma_start3A_42 = arith.constant 0 : i32
      %dma_start3A_43 = tpu.memref_slice %arg8[%dma_start3A_42] : memref<3840xi32, #tpu.memory_space<vmem>> -> memref<80xi32, #tpu.memory_space<vmem>>
      %dma_start3A_44 = tpu.memref_slice %arg4[%add3A_10] : memref<800000xi32, #tpu.memory_space<hbm>> -> memref<80xi32, #tpu.memory_space<hbm>>
      tpu.enqueue_dma source(%dma_start3A_44 : memref<80xi32, #tpu.memory_space<hbm>>) target(%dma_start3A_43 : memref<80xi32, #tpu.memory_space<vmem>>) target_semaphore(%run_scoped3A_38 : memref<!tpu.dma_semaphore, #tpu.memory_space<semaphore_mem>>)
      %dma_wait3A_45 = arith.constant 0 : i32
      %dma_wait3A_46 = tpu.memref_slice %arg8[%dma_wait3A_45] : memref<3840xi32, #tpu.memory_space<vmem>> -> memref<80xi32, #tpu.memory_space<vmem>>
      %dma_wait3A_47 = tpu.memref_slice %arg4[%add3A_10] : memref<800000xi32, #tpu.memory_space<hbm>> -> memref<80xi32, #tpu.memory_space<hbm>>
      %dma_wait3A_48 = arith.constant 0 : i32
      %dma_wait3A_49 = tpu.memref_slice %arg8[%dma_wait3A_48] : memref<3840xi32, #tpu.memory_space<vmem>> -> memref<80xi32, #tpu.memory_space<vmem>>
      %dma_wait3A_50 = tpu.memref_slice %arg4[%add3A_10] : memref<800000xi32, #tpu.memory_space<hbm>> -> memref<80xi32, #tpu.memory_space<hbm>>
      tpu.wait_dma2 semaphore(%run_scoped3A_38 : memref<!tpu.dma_semaphore, #tpu.memory_space<semaphore_mem>>) src(%dma_wait3A_50 : memref<80xi32, #tpu.memory_space<hbm>>) dst(%dma_wait3A_49 : memref<80xi32, #tpu.memory_space<vmem>>)
      tpu.yield
    }) : () -> ()
    %dma_start3A = arith.constant 0 : i32
    %dma_start3A_11 = arith.constant 0 : i32
    %dma_start3A_12 = arith.constant 0 : i32
    %dma_start3A_13 = tpu.memref_slice %arg9[%dma_start3A, %dma_start3A_11, %dma_start3A_12] : memref<4x128x32xf32, #tpu.memory_space<vmem>> -> memref<1x80x32xf32, #tpu.memory_space<vmem>>
    %dma_start3A_14 = tpu.memref_squeeze %dma_start3A_13 : memref<1x80x32xf32, #tpu.memory_space<vmem>> -> memref<80x32xf32, #tpu.memory_space<vmem>>
    %dma_start3A_15 = arith.constant 0 : i32
    %dma_start3A_16 = tpu.memref_slice %arg7[%dma_start3A_15] : memref<3840xi32, #tpu.memory_space<vmem>> -> memref<80xi32, #tpu.memory_space<vmem>>
    %dma_start3A_17 = arith.constant 0 : i32
    %dma_start3A_18 = tpu.memref_slice %arg2[%mul3A_0, %dma_start3A_17] : memref<100000x32xf32, #tpu.memory_space<hbm>> -> memref<50000x32xf32, #tpu.memory_space<hbm>>
    %dma_start3A_19 = arith.constant 0 : i32
    %dma_start3A_20 = arith.constant 0 : i32
    %dma_start3A_21 = tpu.memref_slice %dma_start3A_18[%dma_start3A_19, %dma_start3A_20] : memref<50000x32xf32, #tpu.memory_space<hbm>> -> memref<50000x32xf32, #tpu.memory_space<hbm>>
    tpu.enqueue_indirect_dma source(%dma_start3A_21 : memref<50000x32xf32, #tpu.memory_space<hbm>>) target(%dma_start3A_14 : memref<80x32xf32, #tpu.memory_space<vmem>>) offsets(%dma_start3A_16 : memref<80xi32, #tpu.memory_space<vmem>>) semaphore(%arg11 : memref<!tpu.dma_semaphore, #tpu.memory_space<semaphore_mem>>)
    %dma_wait3A = arith.constant 0 : i32
    %dma_wait3A_22 = arith.constant 0 : i32
    %dma_wait3A_23 = arith.constant 0 : i32
    %dma_wait3A_24 = tpu.memref_slice %arg9[%dma_wait3A, %dma_wait3A_22, %dma_wait3A_23] : memref<4x128x32xf32, #tpu.memory_space<vmem>> -> memref<1x80x32xf32, #tpu.memory_space<vmem>>
    %dma_wait3A_25 = tpu.memref_squeeze %dma_wait3A_24 : memref<1x80x32xf32, #tpu.memory_space<vmem>> -> memref<80x32xf32, #tpu.memory_space<vmem>>
    %dma_wait3A_26 = arith.constant 0 : i32
    %dma_wait3A_27 = tpu.memref_slice %arg7[%dma_wait3A_26] : memref<3840xi32, #tpu.memory_space<vmem>> -> memref<80xi32, #tpu.memory_space<vmem>>
    %dma_wait3A_28 = arith.constant 0 : i32
    %dma_wait3A_29 = tpu.memref_slice %arg2[%mul3A_0, %dma_wait3A_28] : memref<100000x32xf32, #tpu.memory_space<hbm>> -> memref<50000x32xf32, #tpu.memory_space<hbm>>
    %dma_wait3A_30 = arith.constant 0 : i32
    %dma_wait3A_31 = arith.constant 0 : i32
    %dma_wait3A_32 = tpu.memref_slice %dma_wait3A_29[%dma_wait3A_30, %dma_wait3A_31] : memref<50000x32xf32, #tpu.memory_space<hbm>> -> memref<50000x32xf32, #tpu.memory_space<hbm>>
    tpu.wait_indirect_dma semaphore(%arg11 : memref<!tpu.dma_semaphore, #tpu.memory_space<semaphore_mem>>) src(%dma_wait3A_32 : memref<50000x32xf32, #tpu.memory_space<hbm>>) dst(%dma_wait3A_25 : memref<80x32xf32, #tpu.memory_space<vmem>>)
    %run_scoped3A = arith.constant 0 : i32
    "tpu.region"() ({
      %run_scoped3A_38 = tpu.sem_alloc : memref<!tpu.dma_semaphore, #tpu.memory_space<semaphore_mem>>
      %dma_start3A_39 = arith.constant 0 : i32
      %dma_start3A_40 = arith.constant 0 : i32
      %dma_start3A_41 = tpu.memref_slice %arg9[%run_scoped3A, %dma_start3A_39, %dma_start3A_40] : memref<4x128x32xf32, #tpu.memory_space<vmem>> -> memref<1x80x32xf32, #tpu.memory_space<vmem>>
      %dma_start3A_42 = tpu.memref_squeeze %dma_start3A_41 : memref<1x80x32xf32, #tpu.memory_space<vmem>> -> memref<80x32xf32, #tpu.memory_space<vmem>>
      %dma_start3A_43 = arith.constant 0 : i32
      %dma_start3A_44 = tpu.memref_slice %arg8[%dma_start3A_43] : memref<3840xi32, #tpu.memory_space<vmem>> -> memref<80xi32, #tpu.memory_space<vmem>>
      %dma_start3A_45 = arith.constant 0 : i32
      %dma_start3A_46 = arith.constant 0 : i32
      %dma_start3A_47 = tpu.memref_slice %arg10[%dma_start3A_45, %dma_start3A_46] : memref<50048x32xf32, #tpu.memory_space<vmem_shared>> -> memref<50048x32xf32, #tpu.memory_space<vmem_shared>>
      tpu.enqueue_indirect_dma source(%dma_start3A_42 : memref<80x32xf32, #tpu.memory_space<vmem>>) target(%dma_start3A_47 : memref<50048x32xf32, #tpu.memory_space<vmem_shared>>) offsets(%dma_start3A_44 : memref<80xi32, #tpu.memory_space<vmem>>) semaphore(%run_scoped3A_38 : memref<!tpu.dma_semaphore, #tpu.memory_space<semaphore_mem>>) {add = true}
      %dma_wait3A_48 = arith.constant 0 : i32
      %dma_wait3A_49 = arith.constant 0 : i32
      %dma_wait3A_50 = tpu.memref_slice %arg9[%run_scoped3A, %dma_wait3A_48, %dma_wait3A_49] : memref<4x128x32xf32, #tpu.memory_space<vmem>> -> memref<1x80x32xf32, #tpu.memory_space<vmem>>
      %dma_wait3A_51 = tpu.memref_squeeze %dma_wait3A_50 : memref<1x80x32xf32, #tpu.memory_space<vmem>> -> memref<80x32xf32, #tpu.memory_space<vmem>>
      %dma_wait3A_52 = arith.constant 0 : i32
      %dma_wait3A_53 = tpu.memref_slice %arg8[%dma_wait3A_52] : memref<3840xi32, #tpu.memory_space<vmem>> -> memref<80xi32, #tpu.memory_space<vmem>>
      %dma_wait3A_54 = arith.constant 0 : i32
      %dma_wait3A_55 = arith.constant 0 : i32
      %dma_wait3A_56 = tpu.memref_slice %arg10[%dma_wait3A_54, %dma_wait3A_55] : memref<50048x32xf32, #tpu.memory_space<vmem_shared>> -> memref<50048x32xf32, #tpu.memory_space<vmem_shared>>
      tpu.wait_indirect_dma semaphore(%run_scoped3A_38 : memref<!tpu.dma_semaphore, #tpu.memory_space<semaphore_mem>>) src(%dma_wait3A_51 : memref<80x32xf32, #tpu.memory_space<vmem>>) dst(%dma_wait3A_56 : memref<50048x32xf32, #tpu.memory_space<vmem_shared>>)
      tpu.yield
    }) : () -> ()
    %barrier3A_33 = arith.constant 0 : index
    tpu.barrier barrier_id(%barrier3A_33)
    %mul3A_34 = arith.constant 3128 : i32
    %mul3A_35 = arith.muli %arg1, %mul3A_34 : i32
    %mul3A_36 = arith.constant 3128 : i32
    %mul3A_37 = arith.muli %arg1, %mul3A_36 : i32
    "tpu.region"() ({
      %run_scoped3A_38 = tpu.sem_alloc : memref<!tpu.dma_semaphore, #tpu.memory_space<semaphore_mem>>
      %dma_start3A_39 = arith.constant 0 : i32
      %dma_start3A_40 = tpu.memref_slice %arg6[%arg0, %mul3A_37, %dma_start3A_39] : memref<2x50048x32xf32, #tpu.memory_space<hbm>> -> memref<1x3128x32xf32, #tpu.memory_space<hbm>>
      %dma_start3A_41 = tpu.memref_squeeze %dma_start3A_40 : memref<1x3128x32xf32, #tpu.memory_space<hbm>> -> memref<3128x32xf32, #tpu.memory_space<hbm>>
      %dma_start3A_42 = arith.constant 0 : i32
      %dma_start3A_43 = tpu.memref_slice %arg10[%mul3A_35, %dma_start3A_42] : memref<50048x32xf32, #tpu.memory_space<vmem_shared>> -> memref<3128x32xf32, #tpu.memory_space<vmem_shared>>
      tpu.enqueue_dma source(%dma_start3A_43 : memref<3128x32xf32, #tpu.memory_space<vmem_shared>>) target(%dma_start3A_41 : memref<3128x32xf32, #tpu.memory_space<hbm>>) target_semaphore(%run_scoped3A_38 : memref<!tpu.dma_semaphore, #tpu.memory_space<semaphore_mem>>)
      %dma_wait3A_44 = arith.constant 0 : i32
      %dma_wait3A_45 = tpu.memref_slice %arg6[%arg0, %mul3A_37, %dma_wait3A_44] : memref<2x50048x32xf32, #tpu.memory_space<hbm>> -> memref<1x3128x32xf32, #tpu.memory_space<hbm>>
      %dma_wait3A_46 = tpu.memref_squeeze %dma_wait3A_45 : memref<1x3128x32xf32, #tpu.memory_space<hbm>> -> memref<3128x32xf32, #tpu.memory_space<hbm>>
      %dma_wait3A_47 = arith.constant 0 : i32
      %dma_wait3A_48 = tpu.memref_slice %arg10[%mul3A_35, %dma_wait3A_47] : memref<50048x32xf32, #tpu.memory_space<vmem_shared>> -> memref<3128x32xf32, #tpu.memory_space<vmem_shared>>
      tpu.wait_dma2 semaphore(%run_scoped3A_38 : memref<!tpu.dma_semaphore, #tpu.memory_space<semaphore_mem>>) src(%dma_wait3A_48 : memref<3128x32xf32, #tpu.memory_space<vmem_shared>>) dst(%dma_wait3A_46 : memref<3128x32xf32, #tpu.memory_space<hbm>>)
      tpu.yield
    }) : () -> ()
    return
  }
}

module attributes {stable_mosaic.version = 14 : i64} {
  func.func @_rnn_body(%arg0: i32, %arg1: memref<1x4096xf32, #tpu.memory_space<vmem>>, %arg2: memref<512x4096xf32, #tpu.memory_space<vmem>>, %arg3: memref<1x512xf32, #tpu.memory_space<vmem>>, %arg4: memref<1x512xf32, #tpu.memory_space<vmem>>) attributes {dimension_semantics = [#tpu.dimension_semantics<arbitrary>], iteration_bounds = array<i64: 8>, scalar_prefetch = 0 : i64, scratch_operands = 0 : i64, tpu.core_type = #tpu.core_type<tc>, window_params = [{pipeline_mode = #tpu.pipeline_mode<synchronous>, transform_indices = @transform_0, window_bounds = array<i64: 1, 4096>}, {transform_indices = @transform_1, window_bounds = array<i64: 512, 4096>}, {transform_indices = @transform_2, window_bounds = array<i64: 1, 512>}, {transform_indices = @transform_3, window_bounds = array<i64: 1, 512>}]} {
    %get3A = arith.constant 0 : index
    %get3A_0 = arith.constant 0 : index
    %get3A_1 = vector.load %arg1[%get3A, %get3A_0] : memref<1x4096xf32, #tpu.memory_space<vmem>>, vector<1x4096xf32>
    %get3A_2 = arith.constant 0 : index
    %get3A_3 = arith.constant 0 : index
    %get3A_4 = vector.load %arg2[%get3A_2, %get3A_3] : memref<512x4096xf32, #tpu.memory_space<vmem>>, vector<512x4096xf32>
    %dot_general3A = arith.constant dense<0.000000e+00> : vector<1x512xf32>
    %dot_general3A_5 = tpu.matmul %get3A_1, %get3A_4, %dot_general3A {dimension_numbers = #tpu.dot_dimension_numbers<[1], [1], [0], [0], [0, 0, 1, 0], [], []>, transpose_lhs_hint = false} : vector<1x4096xf32>, vector<512x4096xf32>, vector<1x512xf32> -> vector<1x512xf32>
    %get3A_6 = arith.constant 0 : index
    %get3A_7 = arith.constant 0 : index
    %get3A_8 = vector.load %arg3[%get3A_6, %get3A_7] : memref<1x512xf32, #tpu.memory_space<vmem>>, vector<1x512xf32>
    %add3A = arith.addf %dot_general3A_5, %get3A_8 : vector<1x512xf32>
    %tanh3A = math.tanh %add3A : vector<1x512xf32>
    %swap3A = arith.constant 0 : index
    %swap3A_9 = arith.constant 0 : index
    %swap3A_10 = vector.load %arg4[%swap3A, %swap3A_9] : memref<1x512xf32, #tpu.memory_space<vmem>>, vector<1x512xf32>
    tpu.vector_store %arg4[%swap3A, %swap3A_9], %tanh3A {strides = array<i32>} : memref<1x512xf32, #tpu.memory_space<vmem>>, vector<1x512xf32>,
    return
  }
  func.func @transform_0(%arg0: i32) -> (i32, i32) {
    %c0_i32 = arith.constant 0 : i32
    %c0_i32_0 = arith.constant 0 : i32
    %c0_i32_1 = arith.constant 0 : i32
    return %c0_i32, %c0_i32_0 : i32, i32
  }
  func.func @transform_1(%arg0: i32) -> (i32, i32) {
    %c0_i32 = arith.constant 0 : i32
    %c0_i32_0 = arith.constant 0 : i32
    return %arg0, %c0_i32 : i32, i32
  }
  func.func @transform_2(%arg0: i32) -> (i32, i32) {
    %c0_i32 = arith.constant 0 : i32
    %c0_i32_0 = arith.constant 0 : i32
    return %c0_i32, %arg0 : i32, i32
  }
  func.func @transform_3(%arg0: i32) -> (i32, i32) {
    %c0_i32 = arith.constant 0 : i32
    %c0_i32_0 = arith.constant 0 : i32
    return %c0_i32, %arg0 : i32, i32
  }
}

module attributes {stable_mosaic.version = 14 : i64} {
  func.func @_fin_body(%arg0: i32, %arg1: memref<2x3128x128xf32, #tpu.memory_space<vmem>>, %arg2: memref<128x256xf32, #tpu.memory_space<vmem>>, %arg3: memref<128x256xf32, #tpu.memory_space<vmem>>, %arg4: memref<256x256xf32, #tpu.memory_space<vmem>>, %arg5: memref<1x256xf32, #tpu.memory_space<vmem>>, %arg6: memref<3128x256xf32, #tpu.memory_space<vmem>>) attributes {dimension_semantics = [#tpu.dimension_semantics<arbitrary>], iteration_bounds = array<i64: 4>, scalar_prefetch = 0 : i64, scratch_operands = 0 : i64, tpu.core_type = #tpu.core_type<tc>, window_params = [{transform_indices = @transform_0, window_bounds = array<i64: 2, 3128, 128>}, {pipeline_mode = #tpu.pipeline_mode<synchronous>, transform_indices = @transform_1, window_bounds = array<i64: 128, 256>}, {pipeline_mode = #tpu.pipeline_mode<synchronous>, transform_indices = @transform_2, window_bounds = array<i64: 128, 256>}, {pipeline_mode = #tpu.pipeline_mode<synchronous>, transform_indices = @transform_3, window_bounds = array<i64: 256, 256>}, {pipeline_mode = #tpu.pipeline_mode<synchronous>, transform_indices = @transform_4, window_bounds = array<i64: 1, 256>}, {transform_indices = @transform_5, window_bounds = array<i64: 3128, 256>}]} {
    %get3A = arith.constant 0 : index
    %get3A_0 = arith.constant 0 : index
    %get3A_1 = arith.constant 0 : index
    %get3A_2 = vector.load %arg1[%get3A, %get3A_0, %get3A_1] : memref<2x3128x128xf32, #tpu.memory_space<vmem>>, vector<1x3128x128xf32>
    %get3A_3 = vector.shape_cast %get3A_2 : vector<1x3128x128xf32> to vector<3128x128xf32>
    %get3A_4 = arith.constant 0 : index
    %get3A_5 = arith.constant 0 : index
    %get3A_6 = vector.load %arg2[%get3A_4, %get3A_5] : memref<128x256xf32, #tpu.memory_space<vmem>>, vector<128x256xf32>
    %dot_general3A = arith.constant dense<0.000000e+00> : vector<3128x256xf32>
    %dot_general3A_7 = tpu.matmul %get3A_3, %get3A_6, %dot_general3A {dimension_numbers = #tpu.dot_dimension_numbers<[1], [0], [0], [1], [0, 0, 1, 1], [], []>, transpose_lhs_hint = false} : vector<3128x128xf32>, vector<128x256xf32>, vector<3128x256xf32> -> vector<3128x256xf32>
    %get3A_8 = arith.constant 1 : index
    %get3A_9 = arith.constant 0 : index
    %get3A_10 = arith.constant 0 : index
    %get3A_11 = vector.load %arg1[%get3A_8, %get3A_9, %get3A_10] : memref<2x3128x128xf32, #tpu.memory_space<vmem>>, vector<1x3128x128xf32>
    %get3A_12 = vector.shape_cast %get3A_11 : vector<1x3128x128xf32> to vector<3128x128xf32>
    %get3A_13 = arith.constant 0 : index
    %get3A_14 = arith.constant 0 : index
    %get3A_15 = vector.load %arg3[%get3A_13, %get3A_14] : memref<128x256xf32, #tpu.memory_space<vmem>>, vector<128x256xf32>
    %dot_general3A_16 = arith.constant dense<0.000000e+00> : vector<3128x256xf32>
    %dot_general3A_17 = tpu.matmul %get3A_12, %get3A_15, %dot_general3A_16 {dimension_numbers = #tpu.dot_dimension_numbers<[1], [0], [0], [1], [0, 0, 1, 1], [], []>, transpose_lhs_hint = false} : vector<3128x128xf32>, vector<128x256xf32>, vector<3128x256xf32> -> vector<3128x256xf32>
    %add3A = arith.addf %dot_general3A_7, %dot_general3A_17 : vector<3128x256xf32>
    %max3A = arith.constant 0.000000e+00 : f32
    %max3A_18 = vector.broadcast %max3A : f32 to vector<3128x256xf32>
    %max3A_19 = arith.maximumf %add3A, %max3A_18 : vector<3128x256xf32>
    %get3A_20 = arith.constant 0 : index
    %get3A_21 = arith.constant 0 : index
    %get3A_22 = vector.load %arg4[%get3A_20, %get3A_21] : memref<256x256xf32, #tpu.memory_space<vmem>>, vector<256x256xf32>
    %dot_general3A_23 = arith.constant dense<0.000000e+00> : vector<3128x256xf32>
    %dot_general3A_24 = tpu.matmul %max3A_19, %get3A_22, %dot_general3A_23 {dimension_numbers = #tpu.dot_dimension_numbers<[1], [0], [0], [1], [0, 0, 1, 1], [], []>, transpose_lhs_hint = false} : vector<3128x256xf32>, vector<256x256xf32>, vector<3128x256xf32> -> vector<3128x256xf32>
    %get3A_25 = arith.constant 0 : index
    %get3A_26 = arith.constant 0 : index
    %get3A_27 = vector.load %arg5[%get3A_25, %get3A_26] : memref<1x256xf32, #tpu.memory_space<vmem>>, vector<1x256xf32>
    %add3A_28 = vector.broadcast %get3A_27 : vector<1x256xf32> to vector<3128x256xf32>
    %add3A_29 = arith.addf %dot_general3A_24, %add3A_28 : vector<3128x256xf32>
    %swap3A = arith.constant 0 : index
    %swap3A_30 = arith.constant 0 : index
    %swap3A_31 = vector.load %arg6[%swap3A, %swap3A_30] : memref<3128x256xf32, #tpu.memory_space<vmem>>, vector<3128x256xf32>
    tpu.vector_store %arg6[%swap3A, %swap3A_30], %add3A_29 {strides = array<i32>} : memref<3128x256xf32, #tpu.memory_space<vmem>>, vector<3128x256xf32>,
    return
  }
  func.func @transform_0(%arg0: i32) -> (i32, i32, i32) {
    %c0_i32 = arith.constant 0 : i32
    %c0_i32_0 = arith.constant 0 : i32
    %c0_i32_1 = arith.constant 0 : i32
    return %c0_i32, %arg0, %c0_i32_0 : i32, i32, i32
  }
  func.func @transform_1(%arg0: i32) -> (i32, i32) {
    %c0_i32 = arith.constant 0 : i32
    %c0_i32_0 = arith.constant 0 : i32
    %c0_i32_1 = arith.constant 0 : i32
    return %c0_i32, %c0_i32_0 : i32, i32
  }
  func.func @transform_2(%arg0: i32) -> (i32, i32) {
    %c0_i32 = arith.constant 0 : i32
    %c0_i32_0 = arith.constant 0 : i32
    %c0_i32_1 = arith.constant 0 : i32
    return %c0_i32, %c0_i32_0 : i32, i32
  }
  func.func @transform_3(%arg0: i32) -> (i32, i32) {
    %c0_i32 = arith.constant 0 : i32
    %c0_i32_0 = arith.constant 0 : i32
    %c0_i32_1 = arith.constant 0 : i32
    return %c0_i32, %c0_i32_0 : i32, i32
  }
  func.func @transform_4(%arg0: i32) -> (i32, i32) {
    %c0_i32 = arith.constant 0 : i32
    %c0_i32_0 = arith.constant 0 : i32
    %c0_i32_1 = arith.constant 0 : i32
    return %c0_i32, %c0_i32_0 : i32, i32
  }
  func.func @transform_5(%arg0: i32) -> (i32, i32) {
    %c0_i32 = arith.constant 0 : i32
    %c0_i32_0 = arith.constant 0 : i32
    return %arg0, %c0_i32 : i32, i32
  }
}

</mosaic_0001>

<sc_bundles>
// kernel: kernel.5.cloned.1.call-start
scs
__scs_entry_jumppad:
0x0: {  	(pc) =	sbr.rel $0x88, $3  }
0x1: {  	(tag) =	ssettag $0x0;
	lr =	simm.s32 $0x1  }
0x2: {  	[smem:$0x3F99] =	sst lr;
	_ =	strace $0xD0000000  }
0x3: {  	_ = 	snop  }
0x4: {  	_ = 	snop  }
0x5: {  	_ = 	snop  }
0x6: {  	_ = 	snop  }
0x7: {  	_ = 	snop  }
__scs_overlays_trampoline_lowered:
0x8: {  	[smem:$0x3FA8] =	sst s0  }
0x9: {  	[smem:$0x3FA9] =	sst s1  }
0xa: {  	[smem:$0x3FAA] =	sst s2  }
0xb: {  	[smem:$0x3FAB] =	sst s3  }
0xc: {  	[smem:$0x3FAC] =	sst s4  }
0xd: {  	[smem:$0x3FAD] =	sst s5  }
0xe: {  	[smem:$0x3FAE] =	sst s6  }
0xf: {  	[smem:$0x3FAF] =	sst s7  }
0x10: {  	[smem:$0x3FB0] =	sst s8  }
0x11: {  	[smem:$0x3FB1] =	sst s9;
	s0 =	simm.s32 @!p0 $0x0  }
0x12: {  	s1 =	sld [smem:$0x3F97];
	s0 =	simm.s32 @p0 $0x1  }
0x13: {  	[smem:$0x3FB2] =	sst s0;
	s0 =	simm.s32 @!p1 $0x0  }
0x14: {  	s2 =	sld [smem:$0x3F96];
	s0 =	simm.s32 @p1 $0x1  }
0x15: {  	[smem:$0x3FB3] =	sst s0;
	s0 =	simm.s32 @!p2 $0x0  }
0x16: {  	s3 =	sld [smem:$0x3FDB];
	s0 =	simm.s32 @p2 $0x1  }
0x17: {  	s4 =	simm.s32 $0x1BF5;
	[smem:$0x3FB5] =	sst s0  }
0x18: {  	s0 =	sld [smem:$0x3F98];
	_ =	swait.ge [sflag:s4], $0x0  }
0x19: {  	s7 =	sld [smem:$0x3F99]  }
0x1a: {  	s8 =	sadd.s32 $0xFFFFE003, lr  }
0x1b: {  	s9 =	sadd.s32 $0xFFFFFEF7, lr;
	s5 =	simm.s32 $0xFFFFFFFF;
	p2 =	slt.u32 s8, $0xFFFFF086  }
0x1c: {  	p1 =	slt.u32 s9, $0xF7A;
	s5 =	simm.s32 @!p2 $0x0  }
0x1d: {  	s5 =	simm.s32 @p1 $0x1;
	p0 =	seq.s32 s7, s2  }
0x1e: {  	s7 =	smul.u32 @!p0 $0xF7A, s2;
	p2 =	seq.s32 @!p0 s5, $0x0  }
0x1f: {  	s9 =	smul.u32 $0xF7A, s1;
	s8 =	simm.s32 @!p0 $0x1BF5;
	p2 =	por !p2, p0  }
0x20: {  	[sflag:s8] =	ssyncset.s32 @!p0 $0xFFFFF086;
	s6 =	sadd.s32 @!p0 s3, s7;
	s7 =	simm.s32 @!p0 $0x108  }
0x21: {  	s3 =	sadd.s32 s3, s9;
	s6 =	sadd.s32 @!p0 $0x88, s6;
	s7 =	simm.s32 @p2 $0x1082  }
0x22: {  	[simem:s7], [sflag:s8] =	dma.local @!p0 [hbm:s6], $0xF7A  }
0x23: {  	s9 =	sor.u32 $0xD0000000, s2;
	s6 =	simm.s32 $0x108;
	_ =	swait.ge @!p0 [sflag:s8], $0x0  }
0x24: {  	s3 =	sadd.s32 $0x88, s3;
	s6 =	simm.s32 @!p1 $0x1082;
	[sflag:s4] =	ssyncset.s32 $0xFFFFF086  }
0x25: {  	[simem:s6], [sflag:s4] =	dma.local [hbm:s3], $0xF7A  }
0x26: {  	[smem:$0x3F99] =	sst s1;
	(tag) =	ssettag s2;
	_ =	strace s9  }
0x27: {  	s1 =	sld [smem:$0x3FA9]  }
0x28: {  	s2 =	sld [smem:$0x3FAA]  }
0x29: {  	s4 =	sld [smem:$0x3FAC]  }
0x2a: {  	p0 =	seq.s32 s5, $0x0;
	s5 =	sld [smem:$0x3FAD]  }
0x2b: {  	s6 =	sld [smem:$0x3FAE]  }
0x2c: {  	s7 =	sld [smem:$0x3FAF]  }
0x2d: {  	s3 =	simm.s32 $0x108;
	s8 =	sld [smem:$0x3FB0]  }
0x2e: {  	s3 =	simm.s32 @!p0 $0x1082;
	s9 =	sld [smem:$0x3FB1]  }
0x2f: {  	lr =	sadd.s32 s0, s3;
	s0 =	sld [smem:$0x3FA8]  }
0x30: {  	s3 =	sld [smem:$0x3FAB]  }
0x31: {  	[smem:$0x3FB4] =	sst s10  }
0x32: {  	s10 =	sld [smem:$0x3FB2];
	_ =	sdelay $0x3  }
0x33: {  	p0 =	seq.s32 s10, $0x1;
	s10 =	sld [smem:$0x3FB4];
	_ =	sdelay $0x3  }
0x34: {  	[smem:$0x3FB4] =	sst s10  }
0x35: {  	s10 =	sld [smem:$0x3FB3];
	_ =	sdelay $0x3  }
0x36: {  	p1 =	seq.s32 s10, $0x1;
	s10 =	sld [smem:$0x3FB4];
	_ =	sdelay $0x3  }
0x37: {  	[smem:$0x3FB4] =	sst s10  }
0x38: {  	s10 =	sld [smem:$0x3FB5]  }
0x39: {  	_ = 	snop;
	(pc) =	sbr.ind lr, $3  }
0x3a: {  	_ = 	snop  }
0x3b: {  	_ = 	snop  }
0x3c: {  	p2 =	seq.s32 s10, $0x1;
	s10 =	sld [smem:$0x3FB4]  }
0x3d: {  	_ =	shalt  }
0x3e: {  	_ =	shalt  }
0x3f: {  	_ =	shalt  }
0x40: {  	_ =	shalt  }
0x41: {  	_ =	shalt  }
0x42: {  	_ =	shalt  }
0x43: {  	_ =	shalt  }
0x44: {  	_ =	shalt  }
0x45: {  	_ =	shalt  }
0x46: {  	_ =	shalt  }
0x47: {  	_ =	shalt  }
0x48: {  	_ =	shalt  }
0x49: {  	_ =	shalt  }
0x4a: {  	_ =	shalt  }
0x4b: {  	_ =	shalt  }
0x4c: {  	_ =	shalt  }
0x4d: {  	_ =	shalt  }
0x4e: {  	_ =	shalt  }
0x4f: {  	_ =	shalt  }
0x50: {  	_ =	shalt  }
0x51: {  	_ =	shalt  }
0x52: {  	_ =	shalt  }
0x53: {  	_ =	shalt  }
0x54: {  	_ =	shalt  }
0x55: {  	_ =	shalt  }
0x56: {  	_ =	shalt  }
0x57: {  	_ =	shalt  }
0x58: {  	_ =	shalt  }
0x59: {  	_ =	shalt  }
0x5a: {  	_ =	shalt  }
0x5b: {  	_ =	shalt  }
0x5c: {  	_ =	shalt  }
0x5d: {  	_ =	shalt  }
0x5e: {  	_ =	shalt  }
0x5f: {  	_ =	shalt  }
0x60: {  	_ =	shalt  }
0x61: {  	_ =	shalt  }
0x62: {  	_ =	shalt  }
0x63: {  	_ =	shalt  }
0x64: {  	_ =	shalt  }
0x65: {  	_ =	shalt  }
0x66: {  	_ =	shalt  }
0x67: {  	_ =	shalt  }
0x68: {  	_ =	shalt  }
0x69: {  	_ =	shalt  }
0x6a: {  	_ =	shalt  }
0x6b: {  	_ =	shalt  }
0x6c: {  	_ =	shalt  }
0x6d: {  	_ =	shalt  }
0x6e: {  	_ =	shalt  }
0x6f: {  	_ =	shalt  }
0x70: {  	_ =	shalt  }
0x71: {  	_ =	shalt  }
0x72: {  	_ =	shalt  }
0x73: {  	_ =	shalt  }
0x74: {  	_ =	shalt  }
0x75: {  	_ =	shalt  }
0x76: {  	_ =	shalt  }
0x77: {  	_ =	shalt  }
0x78: {  	_ =	shalt  }
0x79: {  	_ =	shalt  }
0x7a: {  	_ =	shalt  }
0x7b: {  	_ =	shalt  }
0x7c: {  	_ =	shalt  }
0x7d: {  	_ =	shalt  }
0x7e: {  	_ =	shalt  }
0x7f: {  	_ =	shalt  }
0x80: {  	_ =	shalt  }
0x81: {  	_ =	shalt  }
0x82: {  	_ =	shalt  }
0x83: {  	_ =	shalt  }
0x84: {  	_ =	shalt  }
0x85: {  	_ =	shalt  }
0x86: {  	_ =	shalt  }
0x87: {  	_ =	shalt  }
.Lfunc_end0:
.L_simem_size_0:
called_computation_lowered:
.L_overlay_start_0:
0x88: {  	s2 =	sld [smem:$0x3FD9]  }
0x89: {  	s3 =	sld [smem:$0x3FFE];
	_ =	sdelay $0x1  }
0x8a: {  	s1 =	srdreg.scid  }
0x8b: {  	s0 =	sand.u32 $0x1, s1  }
0x8c: {  	s14 =	sshll.u32 s0, $0xA;
	s2 =	sadd.s32 s3, s2  }
0x8d: {  	s2 =	sadd.s32 s2, s14  }
0x8e: {  	[smem:$0x3FC0] =	sst s2  }
0x8f: {  	_ = 	snop  }
0x90: {  	s2 =	sld [smem:$0x3FD0];
	_ =	sdelay $0x2  }
0x91: {  	s15 =	simm.s32 $0xA;
	s4 =	simm.s32 $0x10  }
0x92: {  	[smem:s4], [sflag:s15] =	dma.local [hbm:s2], $0x1  }
0x93: {  	_ =	swait.eq [sflag:s15], $0x1  }
0x94: {  	[sflag:s15] =	ssyncset.done $0x0  }
0x95: {  	[sflag:s15] =	ssyncadd.s32 $0xFFFFFFFF  }
0x96: {  	s16 =	sld [smem:$0x10];
	(tm) =	ssettm $0x1  }
0x97: {  	s17 =	sld [smem:$0x3FFB];
	_ =	sdelay $0x3  }
0x98: {  	_ =	strace s17  }
0x99: {  	s3 =	sld [smem:$0x3FFC];
	_ =	sdelay $0x3  }
0x9a: {  	_ =	strace s3  }
0x9b: {  	s3 =	sld [smem:$0x3FFD];
	_ =	sdelay $0x3  }
0x9c: {  	_ =	strace s3  }
0x9d: {  	_ =	strace $0x8FFFFFFF  }
0x9e: {  	s18 =	sld [smem:$0x3FDB];
	_ =	sdelay $0x1  }
0x9f: {  	s19 =	simm.s32 $_scs_section_size  }
0xa0: {  	s5 =	simm.s32 $_size__tile_overlayer_lowered;
	s6 =	simm.s32 $_tile_overlayer_lowered  }
0xa1: {  	s22 =	simm.s32 $0x1BFF;
	s21 =	sshll.u32 s6, $0x1;
	s3 =	sadd.s32 s19, s18  }
0xa2: {  	s7 =	simm.s32 $0x0;
	s20 =	sshll.u32 s5, $0x1;
	s5 =	sadd.s32 s21, s3  }
0xa3: {  	[timem:s7], [sflag:s22] =	dma.local [hbm:s5], s20  }
0xa4: {  	_ =	swait.ge [sflag:s22], s20  }
0xa5: {  	s4 =	ssub.s32 $0x0, s20;
	[sflag:s22] =	ssyncset.done $0x0  }
0xa6: {  	[sflag:s22] =	ssyncadd.s32 s4;
	_ =	sdelay $0x1  }
0xa7: {  	s23 =	simm.s32 $0x1B8B  }
0xa8: {  	_ =	swait.ge [sflag:s23], $0x1  }
0xa9: {  	[sflag:s23] =	ssyncset.done $0x0  }
0xaa: {  	s25 =	simm.s32 $0x1B8E;
	s24 =	sld [smem:$0x3FFE];
	[sflag:s23] =	ssyncadd.s32 $0xFFFFFFFF  }
0xab: {  	s26 =	simm.s32 $execute0_lowered;
	[smem:$0x3FD2] =	sst s25  }
0xac: {  	s5 =	sshll.u32 s26, $0x1;
	_ =	strace $0x80000046;
	[dreg:$0x1] =	wrdreg $0xFFFFFFFF  }
0xad: {  	s28 =	simm.s32 $_size_execute0_lowered;
	s3 =	sadd.s32 s3, s5;
	[dreg:$0x0] =	wrdreg $0x0  }
0xae: {  	s5 =	sshll.u32 s28, $0x1;
	[dreg:$0x2] =	wrdreg s3  }
0xaf: {  	[dreg:$0x3] =	wrdreg s5  }
0xb0: {  	[dreg:$0x4] =	wrdreg $0xC0  }
0xb1: {  	_ =	task [dreg:s7], $0x5FFFF  }
0xb2: {  	[dreg:$0x1] =	wrdreg $0xFFFFFFFF  }
0xb3: {  	[dreg:$0x0] =	wrdreg $0x60  }
0xb4: {  	[dreg:$0x2] =	wrdreg s24  }
0xb5: {  	[dreg:$0x3] =	wrdreg s16  }
0xb6: {  	[dreg:$0x4] =	wrdreg $0x5E000  }
0xb7: {  	[dreg:$0x5] =	wrdreg $0x9  }
0xb8: {  	_ =	task.clear_ibuf [dreg:s7], $0x6FFFF;
	_ =	strace $0x90000046  }
0xb9: {  	s29 =	simm.s32 $0x9;
	_ =	strace $0x80000048  }
0xba: {  	_ =	swait.ge [sflag:s29], $0x1  }
0xbb: {  	[sflag:s29] =	ssyncadd.s32 $0xFFFFFFFF  }
0xbc: {  	_ =	strace $0x90000048  }
0xbd: {  	_ =	sfence  }
0xbe: {  	s30 =	sld [smem:$0x0];
	_ =	sdelay $0x2  }
0xbf: {  	s31 =	sshll.u32 s1, $0xD;
	s1 =	sshrl.u32 s1, $0x2  }
0xc0: {  	s3 =	sand.u32 $0x4000, s31;
	s1 =	sadd.s32 s1, s30  }
0xc1: {  	s0 =	sor.u32 s3, s0;
	s1 =	sshll.u32 s1, $0x11  }
0xc2: {  	s0 =	sor.u32 s1, s0  }
0xc3: {  	s0 =	sadd.s32 $0x8F2B, s0  }
0xc4: {  	[sflag:s0] =	ssyncadd.remote.s32 $0x1  }
0xc5: {  	_ =	sfence.sel $0xFFFF  }
0xc6: {  	[dreg:$0x0] =	wrdreg $0xFFFFFFFF;
	(pc) =	sbr.abs _section_cstart, $3  }
0xc7: {  	[dreg:$0x1] =	wrdreg $0xFFFFFFFF  }
0xc8: {  	_ =	task.clear_ibuf [dreg:s7], $0x2FFFF;
	_ =	strace $0x9FFFFFFF  }
0xc9: {  	(tm) =	ssettm $0x7FFFFFFF  }
tec
execute0_lowered:
.L_overlay_start_1:
0x0: {  	(tag) =	ssettag $0x1  }
0x1: {  	s0 =	rddreg [dreg:$0x0]  }
0x2: {  	s3 =	rddreg [dreg:$0x1]  }
0x3: {  	s1 =	rddreg [dreg:$0x2];
	s4 =	srdreg.scid;
	s2 =	simm.s32 $0x0  }
0x4: {  	s21 =	stileid.u32;
	s15 =	simm.s32 $0x2;
	s16 =	simm.s32 $0xF00  }
0x5: {  	s17 =	simm.s32 $0x80;
	s18 =	simm.s32 $0x1E00;
	s19 =	simm.s32 $0x2E00  }
0x6: {  	s20 =	simm.s32 $0x100;
	s28 =	simm.s32 $0x1D00;
	s29 =	simm.s32 $0x1D80  }
0x7: {  	s31 =	simm.s32 $0x0;
	s7 =	sand.u32 $0x1, s4;
	s5 =	smul.u32 $0xC350, s21  }
0x8: {  	[smem:$0x7FF] =	sst s2;
	s6 =	sadd.s32 $0x1000, s0;
	s10 =	smul.u32 $0x18700, s21  }
0x9: {  	s23 =	sshll.u32 s21, $0x6;
	s21 =	simm.s32 $0x3E00;
	s4 =	smul.u32 $0x30D40, s7  }
0xa: {  	_ =	strace $0x80000047;
	s8 =	ssub.s32 $0x2, s7;
	s7 =	smul.u32 $0x187000, s7  }
0xb: {  	s22 =	sshrl.u32 s8, $0x1;
	s11 =	sadd.s32 s10, s1;
	s12 =	sshrl.u32 s5, $0x3  }
0xc: {  	s9 =	sadd.s32 s4, s0;
	s4 =	sadd.s32 $0x19800, s0;
	s0 =	sadd.s32 $0x32000, s0  }
0xd: {  	s7 =	sadd.s32 s10, s7;
	s24 =	sadd.s32 $0x1860, s12;
	s14 =	sshrl.u32 s11, $0x3  }
0xe: {  	[dreg:$0x4] =	wrdreg s0;
	s0 =	ssub.s32 s8, s22;
	s8 =	sor.u32 $0x1C02, s23  }
0xf: {  	s9 =	sadd.s32 $0x187A00, s9;
	s7 =	sshrl.u32 s7, $0x3;
	s25 =	sadd.s32 s4, s24  }
0x10: {  	s26 =	sadd.s32 s6, s24;
	s22 =	simm.s32 $0x1;
	[dreg:$0x5] =	wrdreg s25  }
0x11: {  	s23 =	simm.s32 $0xE80;
	[dreg:$0x6] =	wrdreg s26;
	s30 =	sadd.s32 s3, s7  }
0x12: {  	s24 =	simm.s32 $0x1C00;
	s0 =	smax.u32 s0, $0x1;
	[dreg:$0x7] =	wrdreg s30  }
0x13: {  	s25 =	simm.s32 $0x1C80;
	s26 =	simm.s32 $0x4E00;
	[dreg:$0x8] =	wrdreg s0  }
.LBB2_1:
0x14: {  	s0 =	rddreg [dreg:$0x4]  }
0x15: {  	[spmem:s14], [sflag:s8] =	dma.local [hbm:s0], $0x30E0  }
0x16: {  	_ =	swait.ge [sflag:s15], $0x30E0  }
0x17: {  	[sflag:s15] =	ssyncset.done $0x0  }
0x18: {  	[sflag:s15] =	ssyncadd.s32 $0xFFFFCF20  }
0x19: {  	s0 =	simm.s32 $0x0;
	[bflag:$0x0] =	sbarrier.arrive $0xFFFF  }
.LBB2_2:
0x1a: {  	s3 =	smul.u32 $0xF00, s0;
	_ =	sdelay $0x1  }
0x1b: {  	s3 =	sadd.s32 s5, s3  }
0x1c: {  	s3 =	sshrl.u32 s3, $0x3  }
0x1d: {  	s10 =	simm.s32 $0x0;
	s7 =	sadd.s32 s4, s3  }
0x1e: {  	[tilespmem:s10], [sflag:$0x2] =	stream.linear.gather [hbm4b:s7+s10], $0xF00, $0x38;
	[tilespmem:$0x1E500] =	vst v63  }
0x1f: {  	_ =	swait.ge [sflag:s15], $0xF00  }
0x20: {  	[sflag:s15] =	ssyncset.done $0x0  }
0x21: {  	s3 =	sadd.s32 s6, s3;
	[sflag:s15] =	ssyncadd.s32 $0xFFFFF100  }
0x22: {  	[tilespmem:s16], [sflag:$0x2] =	stream.linear.gather [hbm4b:s3+s10], $0xF00, $0x38;
	[tilespmem:$0x1E500] =	vst v63  }
0x23: {  	_ =	swait.ge [sflag:s15], $0xF00  }
0x24: {  	[sflag:s15] =	ssyncset.done $0x0  }
0x25: {  	[sflag:s15] =	ssyncadd.s32 $0xFFFFF100  }
0x26: {  	[tilespmem:s18], [sflag:$0x1] =	stream.indirect.gather [hbm4b:s9+s17], $0x20, s10, s17, $0xb8;
	[tilespmem:$0x1E500] =	vst v63  }
0x27: {  	s13 =	simm.s32 $0x3000  }
0x28: {  	[tilespmem:s19], [sflag:$0x1] =	stream.indirect.gather [hbm4b:s9+s17], $0x20, s17, s17, $0xb8;
	[tilespmem:$0x1E500] =	vst v63  }
0x29: {  	s3 =	sand.u32 $0x3000, s13  }
0x2a: {  	[tilespmem:s21], [sflag:$0x1] =	stream.indirect.gather [hbm4b:s9+s17], $0x20, s20, s17, $0xb8;
	[tilespmem:$0x1E500] =	vst v63  }
0x2b: {  	s2 =	simm.s32 $0x180;
	s3 =	sadd.s32 $0x1E00, s3  }
0x2c: {  	[tilespmem:s3], [sflag:$0x1] =	stream.indirect.gather [hbm4b:s9+s17], $0x20, s2, s17, $0xb8;
	[tilespmem:$0x1E500] =	vst v63  }
0x2d: {  	_ =	swait.ge [sflag:s22], $0x1000  }
0x2e: {  	s11 =	sand.u32 $0x2000, s10;
	[sflag:s22] =	ssyncset.done $0x0  }
0x2f: {  	s12 =	sor.u32 $0x1E00, s11;
	s13 =	simm.s32 $0xF00;
	[sflag:s22] =	ssyncadd.s32 $0xFFFFF000  }
0x30: {  	[spmem:s1] =	stream.indirect.scatter.add.f32 [tilespmem:s12], [sflag:$0x2], $0x20, s13, s17, $0xb8;
	[tilespmem:$0x1E500] =	vst v63  }
0x31: {  	_ =	swait.ge [sflag:s15], $0x1000  }
0x32: {  	s11 =	simm.s32 $0x280;
	[sflag:s15] =	ssyncset.done $0x0  }
0x33: {  	s10 =	simm.s32 $0x1000;
	s2 =	simm.s32 $0x200;
	[sflag:s15] =	ssyncadd.s32 $0xFFFFF000  }
0x34: {  	[tilespmem:s12], [sflag:$0x1] =	stream.indirect.gather [hbm4b:s9+s17], $0x20, s2, s17, $0xb8;
	[tilespmem:$0x1E500] =	vst v63  }
0x35: {  	s7 =	sand.u32 $0x3000, s10;
	s10 =	simm.s32 $0x2000;
	_ =	swait.ge [sflag:s22], $0x1000  }
0x36: {  	s7 =	sadd.s32 $0x1E00, s7;
	s3 =	simm.s32 $0x300;
	[sflag:s22] =	ssyncset.done $0x0  }
0x37: {  	s13 =	simm.s32 $0xF80;
	s2 =	simm.s32 $0x5000;
	[sflag:s22] =	ssyncadd.s32 $0xFFFFF000  }
0x38: {  	[spmem:s1] =	stream.indirect.scatter.add.f32 [tilespmem:s7], [sflag:$0x2], $0x20, s13, s17, $0xb8;
	[tilespmem:$0x1E500] =	vst v63  }
0x39: {  	s12 =	simm.s32 $0x2;
	s30 =	sand.u32 $0x3000, s2;
	_ =	swait.ge [sflag:s15], $0x1000  }
0x3a: {  	s7 =	simm.s32 $0x1080;
	s13 =	simm.s32 $0x400;
	[sflag:s15] =	ssyncset.done $0x0  }
.LBB2_3:
0x3b: {  	s2 =	sadd.s32 $0xFFFFFF80, s13;
	s30 =	sadd.s32 $0x1E00, s30;
	[sflag:s15] =	ssyncadd.s32 $0xFFFFF000  }
0x3c: {  	[tilespmem:s30], [sflag:$0x1] =	stream.indirect.gather [hbm4b:s9+s17], $0x20, s11, s17, $0xb8;
	[tilespmem:$0x1E500] =	vst v63  }
0x3d: {  	s12 =	sadd.s32 $0x2, s12;
	s11 =	smov.u32 s2;
	_ =	swait.ge [sflag:s22], $0x1000  }
0x3e: {  	p0 =	slt.u32 s12, $0x18;
	s2 =	sand.u32 $0x2000, s10;
	[sflag:s22] =	ssyncset.done $0x0  }
0x3f: {  	s30 =	sadd.s32 $0xFFFFFF80, s7;
	s2 =	sor.u32 $0x1E00, s2;
	[sflag:s22] =	ssyncadd.s32 $0xFFFFF000  }
0x40: {  	[spmem:s1] =	stream.indirect.scatter.add.f32 [tilespmem:s2], [sflag:$0x2], $0x20, s30, s17, $0xb8;
	[tilespmem:$0x1E500] =	vst v63  }
0x41: {  	_ =	swait.ge [sflag:s15], $0x1000  }
0x42: {  	[sflag:s15] =	ssyncset.done $0x0  }
0x43: {  	[sflag:s15] =	ssyncadd.s32 $0xFFFFF000  }
0x44: {  	[tilespmem:s2], [sflag:$0x1] =	stream.indirect.gather [hbm4b:s9+s17], $0x20, s3, s17, $0xb8;
	[tilespmem:$0x1E500] =	vst v63  }
0x45: {  	s2 =	sadd.s32 $0x1000, s10;
	s3 =	smov.u32 s13;
	_ =	swait.ge [sflag:s22], $0x1000  }
.Ltmp0:
0x46: {  	s2 =	sand.u32 $0x3000, s2;
	[sflag:s22] =	ssyncset.done $0x0;
	(pc) =	sbr.rel @p0 .LBB2_3-.Ltmp0, $4  }
0x47: {  	s10 =	sadd.s32 $0x2000, s10;
	s2 =	sadd.s32 $0x1E00, s2;
	[sflag:s22] =	ssyncadd.s32 $0xFFFFF000  }
0x48: {  	[spmem:s1] =	stream.indirect.scatter.add.f32 [tilespmem:s2], [sflag:$0x2], $0x20, s7, s17, $0xb8;
	[tilespmem:$0x1E500] =	vst v63  }
0x49: {  	s2 =	sadd.s32 $0x3000, s10;
	s7 =	sadd.s32 $0x100, s7;
	_ =	swait.ge [sflag:s15], $0x1000  }
0x4a: {  	s13 =	sadd.s32 $0x100, s13;
	s30 =	sand.u32 $0x3000, s2;
	[sflag:s15] =	ssyncset.done $0x0  }
0x4b: {  	s2 =	sadd.s32 $0x1E00, s30;
	[sflag:s15] =	ssyncadd.s32 $0xFFFFF000  }
0x4c: {  	[tilespmem:s2], [sflag:$0x1] =	stream.indirect.gather [hbm4b:s9+s17], $0x20, s11, s17, $0xb8;
	[tilespmem:$0x1E500] =	vst v63  }
0x4d: {  	_ =	swait.ge [sflag:s22], $0x1000  }
0x4e: {  	s12 =	sand.u32 $0x2000, s10;
	[sflag:s22] =	ssyncset.done $0x0  }
0x4f: {  	s13 =	sadd.s32 $0xFFFFFF80, s7;
	s2 =	sor.u32 $0x1E00, s12;
	[sflag:s22] =	ssyncadd.s32 $0xFFFFF000  }
0x50: {  	[spmem:s1] =	stream.indirect.scatter.add.f32 [tilespmem:s2], [sflag:$0x2], $0x20, s13, s17, $0xb8;
	[tilespmem:$0x1E500] =	vst v63  }
0x51: {  	_ =	swait.ge [sflag:s15], $0x1000  }
0x52: {  	[sflag:s15] =	ssyncset.done $0x0  }
0x53: {  	[sflag:s15] =	ssyncadd.s32 $0xFFFFF000  }
0x54: {  	[tilespmem:s2], [sflag:$0x1] =	stream.indirect.gather [hbm4b:s9+s17], $0x20, s3, s17, $0xb8;
	[tilespmem:$0x1E500] =	vst v63  }
0x55: {  	s30 =	sadd.s32 $0x1000, s10;
	_ =	swait.ge [sflag:s22], $0x1000  }
0x56: {  	s2 =	sand.u32 $0x3000, s30;
	[sflag:s22] =	ssyncset.done $0x0  }
0x57: {  	s2 =	sadd.s32 $0x1E00, s2;
	[sflag:s22] =	ssyncadd.s32 $0xFFFFF000  }
0x58: {  	[spmem:s1] =	stream.indirect.scatter.add.f32 [tilespmem:s2], [sflag:$0x2], $0x20, s7, s17, $0xb8;
	[tilespmem:$0x1E500] =	vst v63  }
0x59: {  	_ =	swait.ge [sflag:s15], $0x1000  }
0x5a: {  	[sflag:s15] =	ssyncset.done $0x0  }
0x5b: {  	[sflag:s15] =	ssyncadd.s32 $0xFFFFF000  }
0x5c: {  	[tilespmem:s19], [sflag:$0x1] =	stream.indirect.gather [hbm4b:s9+s17], $0x20, s23, s17, $0xb8;
	[tilespmem:$0x1E500] =	vst v63  }
0x5d: {  	_ =	swait.ge [sflag:s22], $0x1000  }
0x5e: {  	[sflag:s22] =	ssyncset.done $0x0  }
0x5f: {  	[sflag:s22] =	ssyncadd.s32 $0xFFFFF000  }
0x60: {  	[spmem:s1] =	stream.indirect.scatter.add.f32 [tilespmem:s21], [sflag:$0x2], $0x20, s24, s17, $0xb8;
	[tilespmem:$0x1E500] =	vst v63  }
0x61: {  	_ =	swait.ge [sflag:s15], $0x1000  }
0x62: {  	[sflag:s15] =	ssyncset.done $0x0  }
0x63: {  	[sflag:s15] =	ssyncadd.s32 $0xFFFFF000  }
0x64: {  	_ =	swait.ge [sflag:s22], $0x1000  }
0x65: {  	[sflag:s22] =	ssyncset.done $0x0  }
0x66: {  	[sflag:s22] =	ssyncadd.s32 $0xFFFFF000  }
0x67: {  	[spmem:s1] =	stream.indirect.scatter.add.f32 [tilespmem:s26], [sflag:$0x2], $0x20, s25, s17, $0xb8;
	[tilespmem:$0x1E500] =	vst v63  }
0x68: {  	_ =	swait.ge [sflag:s15], $0x1000  }
0x69: {  	[sflag:s15] =	ssyncset.done $0x0  }
0x6a: {  	[sflag:s15] =	ssyncadd.s32 $0xFFFFF000  }
0x6b: {  	_ =	swait.ge [sflag:s22], $0x1000  }
0x6c: {  	[sflag:s22] =	ssyncset.done $0x0  }
0x6d: {  	[sflag:s22] =	ssyncadd.s32 $0xFFFFF000  }
0x6e: {  	[spmem:s1] =	stream.indirect.scatter.add.f32 [tilespmem:s18], [sflag:$0x2], $0x20, s28, s17, $0xb8;
	[tilespmem:$0x1E500] =	vst v63  }
0x6f: {  	_ =	swait.ge [sflag:s15], $0x1000  }
0x70: {  	[sflag:s15] =	ssyncset.done $0x0  }
0x71: {  	[sflag:s15] =	ssyncadd.s32 $0xFFFFF000  }
0x72: {  	s0 =	sadd.s32 $0x1, s0;
	_ =	swait.ge [sflag:s22], $0x1000  }
0x73: {  	p0 =	sne.s32 s0, $0xD;
	[sflag:s22] =	ssyncset.done $0x0  }
.Ltmp1:
0x74: {  	[sflag:s22] =	ssyncadd.s32 $0xFFFFF000;
	(pc) =	sbr.rel @p0 .LBB2_2-.Ltmp1, $4  }
0x75: {  	[spmem:s1] =	stream.indirect.scatter.add.f32 [tilespmem:s19], [sflag:$0x2], $0x20, s29, s17, $0xb8;
	[tilespmem:$0x1E500] =	vst v63  }
0x76: {  	_ =	swait.ge [sflag:s15], $0x1000  }
0x77: {  	[sflag:s15] =	ssyncset.done $0x0  }
0x78: {  	[sflag:s15] =	ssyncadd.s32 $0xFFFFF000  }
0x79: {  	s0 =	simm.s32 $0x0;
	s2 =	rddreg [dreg:$0x5]  }
0x7a: {  	[tilespmem:s0], [sflag:$0x2] =	stream.linear.gather [hbm4b:s2+s0], $0x50, $0x38;
	[tilespmem:$0x1E500] =	vst v63  }
0x7b: {  	_ =	swait.ge [sflag:s15], $0x50  }
0x7c: {  	[sflag:s15] =	ssyncset.done $0x0  }
0x7d: {  	s11 =	rddreg [dreg:$0x6];
	[sflag:s15] =	ssyncadd.s32 $0xFFFFFFB0  }
0x7e: {  	[tilespmem:s16], [sflag:$0x2] =	stream.linear.gather [hbm4b:s11+s0], $0x50, $0x38;
	[tilespmem:$0x1E500] =	vst v63  }
0x7f: {  	_ =	swait.ge [sflag:s15], $0x50  }
0x80: {  	[sflag:s15] =	ssyncset.done $0x0  }
0x81: {  	s12 =	simm.s32 $0x50;
	[sflag:s15] =	ssyncadd.s32 $0xFFFFFFB0  }
0x82: {  	[tilespmem:s18], [sflag:$0x1] =	stream.indirect.gather [hbm4b:s9+s12], $0x20, s0, s12, $0xb8;
	[tilespmem:$0x1E500] =	vst v63  }
0x83: {  	_ =	swait.ge [sflag:s22], $0xA00  }
0x84: {  	[sflag:s22] =	ssyncset.done $0x0  }
0x85: {  	[sflag:s22] =	ssyncadd.s32 $0xFFFFF600  }
0x86: {  	[spmem:s1] =	stream.indirect.scatter.add.f32 [tilespmem:s18], [sflag:$0x2], $0x20, s16, s12, $0xb8;
	[tilespmem:$0x1E500] =	vst v63  }
0x87: {  	_ =	swait.ge [sflag:s15], $0xA00  }
0x88: {  	[sflag:s15] =	ssyncset.done $0x0  }
0x89: {  	[sflag:s15] =	ssyncadd.s32 $0xFFFFF600  }
0x8a: {  	[bflag:$0x0] =	sbarrier.arrive $0xFFFF  }
0x8b: {  	s13 =	rddreg [dreg:$0x7]  }
0x8c: {  	[hbm:s13], [sflag:s8] =	dma.local [spmem:s14], $0x30E0  }
0x8d: {  	_ =	swait.ge [sflag:s15], $0x30E0  }
0x8e: {  	s31 =	sadd.s32 $0x1, s31;
	s30 =	rddreg [dreg:$0x8]  }
0x8f: {  	p0 =	sne.s32 s31, s30  }
.Ltmp2:
0x90: {  	_ = 	snop;
	(pc) =	sbr.rel @p0 .LBB2_1-.Ltmp2, $3  }
0x91: {  	_ =	sdelay $0x1  }
0x92: {  	[sflag:s15] =	ssyncset.done $0x0  }
0x93: {  	[sflag:s15] =	ssyncadd.s32 $0xFFFFCF20  }
0x94: {  	_ =	sfence.sel $0x180000  }
0x95: {  	[bflag:$0x0] =	sbarrier.arrive $0xFFFF  }
0x96: {  	_ =	strace $0x90000047  }
0x97: {  	s0 =	stileid.u32;
	[bflag:$0x2] =	sbarrier.arrive $0xFFFF  }
0x98: {  	p0 =	sne.s32 s0, $0x0;
	s0 =	rddreg [dreg:$0x3]  }
0x99: {  	s0 =	sadd.s32 @!p0 $0x100000, s0  }
0x9a: {  	[sflag:s0] =	ssyncadd.tile.s32 @!p0 $0x1;
	_ =	shalt  }
.Lfunc_end2:
_tile_overlayer_lowered:
.L_overlay_start_2:
0x9b: {  	(tag) =	ssettag $0x2  }
0x9c: {  	s0 =	rddreg [dreg:$0x0];
	s2 =	stileid.u32  }
0x9d: {  	s1 =	rddreg [dreg:$0x1];
	p0 =	sne.s32 s2, $0x0  }
0x9e: {  	s3 =	rddreg [dreg:$0x2];
	[bflag:$0x3] =	sbarrier.arrive $0xFFFF;
	s2 =	simm.s32 @!p0 $0x1C02  }
0x9f: {  	[timem:s3], [sflag:s2] =	dma.local @!p0 [hbm:s0], s1  }
0xa0: {  	s0 =	simm.s32 @!p0 $0x2  }
0xa1: {  	_ =	swait.ge @!p0 [sflag:s0], s1  }
0xa2: {  	s1 =	ssub.s32 @!p0 $0x0, s1;
	[sflag:s0] =	ssyncset.done @!p0 $0x0  }
0xa3: {  	[sflag:s0] =	ssyncadd.s32 @!p0 s1  }
0xa4: {  	[bflag:$0x3] =	sbarrier.arrive $0xFFFF  }
0xa5: {  	_ =	shalt  }

</sc_bundles>
